<compile_context>
chip_gen: v7x
topology: tpu7x:2x2x1
jax: 0.10.2.dev20260603
libtpu: 0.0.44.dev20260713+nightly
codegen_flags: <defaults>
</compile_context>

<pallas_src>
import functools

import jax
import jax.numpy as jnp
from jax import lax
from jax.experimental import pallas as pl
from jax.experimental.pallas import tpu as pltpu
from jax.experimental.pallas import tpu_sc as plsc

_ROWS = 1_000_000
_D = 64
_B = 16384
_NC = 2
_NS = 16
_NW = _NC * _NS
_BPW = _B // _NW
_CHUNK = 128
_NCHUNK = _BPW // _CHUNK
_L = 16
_Q = 7
_RB = 2


def _sc_gather_sorted(table_t, idx_sorted, order3):
    mesh = plsc.VectorSubcoreMesh(core_axis_name="c", subcore_axis_name="s")

    @functools.partial(
        pl.kernel,
        mesh=mesh,
        out_type=jax.ShapeDtypeStruct((_B, 2 * _D), jnp.float32),
        compiler_params=pltpu.CompilerParams(needs_layout_passes=False),
        scratch_types=[
            pltpu.SMEM((_BPW,), jnp.int32),
            pltpu.VMEM((_Q * _D, 2 * _D), jnp.float32),
            pltpu.VMEM((_RB * _CHUNK, 2 * _D), jnp.float32),
            pltpu.VMEM((_NCHUNK, _CHUNK), jnp.int32),
            pltpu.VMEM((_BPW,), jnp.int32),
            pltpu.SemaphoreType.DMA,
            pltpu.SemaphoreType.DMA,
        ],
    )
    def k(table_hbm, idx_hbm, ord_hbm, out_hbm,
          rval_s, win_v, rowbuf_v, ord_v, idx_v, sem, osem):
        wid = lax.axis_index("s") * _NC + lax.axis_index("c")
        base = wid * _BPW
        pltpu.sync_copy(idx_hbm.at[pl.ds(base, _BPW)], idx_v)
        pltpu.sync_copy(ord_hbm.at[wid], ord_v)

        ids16 = lax.iota(jnp.int32, _L)

        def read_idx(l):
            v = idx_v[pl.ds(lax.div(l, _L) * _L, _L)]
            lane = lax.rem(l, _L)
            return jnp.sum(jnp.where(ids16 == lane, v, 0))

        def prescan(l, carry):
            nruns, prev = carry
            r = read_idx(l) >> 7
            is_new = jnp.logical_or(l == 0, r != prev)
            nruns = jnp.where(is_new, nruns + 1, nruns)

            @pl.when(is_new)
            def _():
                rval_s[nruns - 1] = r

            return (nruns, r)

        nruns, _ = lax.fori_loop(0, _BPW, prescan, (0, -1))

        def fire(run_k, slot):
            r = rval_s[run_k]
            pltpu.async_copy(
                table_hbm.at[:, pl.ds(pl.multiple_of(r * 128, 128), 128)],
                win_v.at[pl.ds(pl.multiple_of(slot * _D, _D), _D)],
                sem,
            )

        for q in range(_Q - 1):
            @pl.when(q < nruns)
            def _(q=q):
                fire(q, q)

        def item_body(p, carry):
            runk, prev = carry
            i = read_idx(p)
            r = i >> 7
            is_new = jnp.logical_or(p == 0, r != prev)
            runk = jnp.where(is_new, runk + 1, runk)

            @pl.when(is_new)
            def _():
                pltpu.make_async_copy(
                    table_hbm.at[:, pl.ds(0, 128)],
                    win_v.at[pl.ds(0, _D)],
                    sem,
                ).wait()
                nxt = runk + _Q - 1

                @pl.when(nxt < nruns)
                def _():
                    fire(nxt, lax.rem(nxt, _Q))

            @pl.when(jnp.logical_and(lax.rem(p, _CHUNK) == 0,
                                     p >= _RB * _CHUNK))
            def _():
                pltpu.make_async_copy(
                    rowbuf_v.at[pl.ds(0, _CHUNK)],
                    out_hbm.at[ord_v.at[0]],
                    osem,
                ).wait()

            slot = lax.rem(runk, _Q)
            rbrow = lax.rem(lax.div(p, _CHUNK), _RB) * _CHUNK + lax.rem(p, _CHUNK)
            ri = i & 127
            for g in range(_D // _L):
                rows16 = slot * _D + g * _L + ids16
                vals = plsc.load_gather(win_v, [rows16, ids16 * 0 + ri])
                plsc.store_scatter(
                    rowbuf_v, [ids16 * 0 + rbrow, g * _L + ids16], vals
                )

            @pl.when(lax.rem(p + 1, _CHUNK) == 0)
            def _():
                j = lax.div(p + 1, _CHUNK) - 1
                rbs = lax.rem(j, _RB)
                pltpu.async_copy(
                    rowbuf_v.at[
                        pl.ds(pl.multiple_of(rbs * _CHUNK, _CHUNK), _CHUNK)
                    ],
                    out_hbm.at[ord_v.at[j]],
                    osem,
                )

            return (runk, r)

        lax.fori_loop(0, _BPW, item_body, (-1, -1))

        for j in range(_RB):
            pltpu.make_async_copy(
                rowbuf_v.at[pl.ds(0, _CHUNK)],
                out_hbm.at[ord_v.at[0]],
                osem,
            ).wait()

    return k(table_t, idx_sorted, order3)


def kernel(param, mesh_indices):
    table_t = param.T
    idx = mesh_indices.astype(jnp.int32)
    iota = lax.iota(jnp.int32, _B)
    idx_sorted, order = lax.sort((idx, iota), num_keys=1)
    order3 = order.reshape(_NW, _NCHUNK, _CHUNK)
    out_pad = _sc_gather_sorted(table_t, idx_sorted, order3)
    return out_pad[:, :_D]

# --- scband reference (transcript-rebuilt; emitter-appended) ---
"""Pipeline reference for scband-fixed-grid-representation-24627342475316 (READ-ONLY COPY).

The authoritative reference and input builder live on the scoring server;
editing this copy changes nothing except your own understanding.
"""

import jax, jax.numpy as jnp
import numpy as np

IN_SHAPE = (1000000,)
OUT_FEATURES = 64
BATCH = 16384


def setup_inputs(seed: int = 0) -> dict:
    key = jax.random.key(seed)
    k1, k2 = jax.random.split(key)
    # nn.Parameter(torch.randn((*in_shape, out_features))) since out_features != 1
    param = jax.random.normal(k1, (*IN_SHAPE, OUT_FEATURES), dtype=jnp.float32)
    # SliceableMesh modeled as a set of row indices selecting a sub-grid of the
    # fixed parameter grid (mesh.apply_slicing_to_tensor == advanced-index gather
    # along the grid axes).
    mesh_indices = jax.random.randint(k2, (BATCH,), 0, IN_SHAPE[0], dtype=jnp.int64)
    return {"param": param, "mesh_indices": mesh_indices}


def reference(param, mesh_indices):
    # FixedGridRepresentation.forward(mesh):
    #   if mesh is None: return self.param
    #   else: return mesh.apply_slicing_to_tensor(self.param)
    # Slicing a fixed grid by mesh coordinates == gather of grid rows.
    return jnp.take(param, mesh_indices, axis=0)

if __name__ == "__main__":
    import jax
    _d = setup_inputs()
    print(jax.jit(kernel)(*tuple(_d.values())))

</pallas_src>

<mosaic_0001>
#map = affine_map<(d0, d1) -> (0, 0)>
#map1 = affine_map<(d0, d1) -> (0)>
#map2 = affine_map<(d0, d1) -> (0, 0, 0)>
module attributes {stable_mosaic.version = 14 : i64} {
  func.func @k(%arg0: i32, %arg1: i32, %arg2: memref<64x1000000xf32, #tpu.memory_space<hbm>>, %arg3: memref<16384xi32, #tpu.memory_space<hbm>>, %arg4: memref<32x4x128xi32, #tpu.memory_space<hbm>>, %arg5: memref<16384x128xf32, #tpu.memory_space<hbm>>, %arg6: memref<512xi32, #tpu.memory_space<smem>>, %arg7: memref<448x128xf32, #tpu.memory_space<vmem>>, %arg8: memref<256x128xf32, #tpu.memory_space<vmem>>, %arg9: memref<4x128xi32, #tpu.memory_space<vmem>>, %arg10: memref<512xi32, #tpu.memory_space<vmem>>, %arg11: memref<!tpu.dma_semaphore, #tpu.memory_space<semaphore_mem>>, %arg12: memref<!tpu.dma_semaphore, #tpu.memory_space<semaphore_mem>>) attributes {dimension_semantics = [#tpu.dimension_semantics<core_parallel>, #tpu.dimension_semantics<subcore_parallel>], iteration_bounds = array<i64: 2, 16>, scalar_prefetch = 0 : i64, scratch_operands = 7 : i64, tpu.core_type = #tpu.core_type<sc_vector_subcore>, window_params = [{transform_indices = #map}, {transform_indices = #map1}, {transform_indices = #map2}, {transform_indices = #map}]} {
    %mul3A = arith.constant 2 : i32
    %mul3A_0 = arith.muli %arg1, %mul3A : i32
    %add3A = arith.addi %mul3A_0, %arg0 : i32
    %mul3A_1 = arith.constant 512 : i32
    %mul3A_2 = arith.muli %add3A, %mul3A_1 : i32
    "tpu.region"() ({
      %run_scoped3A = tpu.sem_alloc : memref<!tpu.dma_semaphore, #tpu.memory_space<semaphore_mem>>
      %dma_start3A = tpu.memref_slice %arg3[%mul3A_2] : memref<16384xi32, #tpu.memory_space<hbm>> -> memref<512xi32, #tpu.memory_space<hbm>>
      %dma_start3A_64 = tpu.memref_slice %arg3[%mul3A_2] : memref<16384xi32, #tpu.memory_space<hbm>> -> memref<512xi32, #tpu.memory_space<hbm>>
      tpu.enqueue_dma source(%dma_start3A_64 : memref<512xi32, #tpu.memory_space<hbm>>) target(%arg10 : memref<512xi32, #tpu.memory_space<vmem>>) target_semaphore(%run_scoped3A : memref<!tpu.dma_semaphore, #tpu.memory_space<semaphore_mem>>)
      %dma_wait3A_65 = tpu.memref_slice %arg3[%mul3A_2] : memref<16384xi32, #tpu.memory_space<hbm>> -> memref<512xi32, #tpu.memory_space<hbm>>
      %dma_wait3A_66 = tpu.memref_slice %arg3[%mul3A_2] : memref<16384xi32, #tpu.memory_space<hbm>> -> memref<512xi32, #tpu.memory_space<hbm>>
      tpu.wait_dma2 semaphore(%run_scoped3A : memref<!tpu.dma_semaphore, #tpu.memory_space<semaphore_mem>>) src(%dma_wait3A_66 : memref<512xi32, #tpu.memory_space<hbm>>) dst(%arg10 : memref<512xi32, #tpu.memory_space<vmem>>)
      tpu.yield
    }) : () -> ()
    "tpu.region"() ({
      %run_scoped3A = tpu.sem_alloc : memref<!tpu.dma_semaphore, #tpu.memory_space<semaphore_mem>>
      %dma_start3A = arith.constant 0 : i32
      %dma_start3A_64 = arith.constant 0 : i32
      %dma_start3A_65 = tpu.memref_slice %arg4[%add3A, %dma_start3A, %dma_start3A_64] : memref<32x4x128xi32, #tpu.memory_space<hbm>> -> memref<1x4x128xi32, #tpu.memory_space<hbm>>
      %dma_start3A_66 = tpu.memref_squeeze %dma_start3A_65 : memref<1x4x128xi32, #tpu.memory_space<hbm>> -> memref<4x128xi32, #tpu.memory_space<hbm>>
      %dma_start3A_67 = arith.constant 0 : i32
      %dma_start3A_68 = arith.constant 0 : i32
      %dma_start3A_69 = tpu.memref_slice %arg4[%add3A, %dma_start3A_67, %dma_start3A_68] : memref<32x4x128xi32, #tpu.memory_space<hbm>> -> memref<1x4x128xi32, #tpu.memory_space<hbm>>
      %dma_start3A_70 = tpu.memref_squeeze %dma_start3A_69 : memref<1x4x128xi32, #tpu.memory_space<hbm>> -> memref<4x128xi32, #tpu.memory_space<hbm>>
      tpu.enqueue_dma source(%dma_start3A_70 : memref<4x128xi32, #tpu.memory_space<hbm>>) target(%arg9 : memref<4x128xi32, #tpu.memory_space<vmem>>) target_semaphore(%run_scoped3A : memref<!tpu.dma_semaphore, #tpu.memory_space<semaphore_mem>>)
      %dma_wait3A_71 = arith.constant 0 : i32
      %dma_wait3A_72 = arith.constant 0 : i32
      %dma_wait3A_73 = tpu.memref_slice %arg4[%add3A, %dma_wait3A_71, %dma_wait3A_72] : memref<32x4x128xi32, #tpu.memory_space<hbm>> -> memref<1x4x128xi32, #tpu.memory_space<hbm>>
      %dma_wait3A_74 = tpu.memref_squeeze %dma_wait3A_73 : memref<1x4x128xi32, #tpu.memory_space<hbm>> -> memref<4x128xi32, #tpu.memory_space<hbm>>
      %dma_wait3A_75 = arith.constant 0 : i32
      %dma_wait3A_76 = arith.constant 0 : i32
      %dma_wait3A_77 = tpu.memref_slice %arg4[%add3A, %dma_wait3A_75, %dma_wait3A_76] : memref<32x4x128xi32, #tpu.memory_space<hbm>> -> memref<1x4x128xi32, #tpu.memory_space<hbm>>
      %dma_wait3A_78 = tpu.memref_squeeze %dma_wait3A_77 : memref<1x4x128xi32, #tpu.memory_space<hbm>> -> memref<4x128xi32, #tpu.memory_space<hbm>>
      tpu.wait_dma2 semaphore(%run_scoped3A : memref<!tpu.dma_semaphore, #tpu.memory_space<semaphore_mem>>) src(%dma_wait3A_78 : memref<4x128xi32, #tpu.memory_space<hbm>>) dst(%arg9 : memref<4x128xi32, #tpu.memory_space<vmem>>)
      tpu.yield
    }) : () -> ()
    %iota3A = tpu.iota {dimensions = array<i32: 0>} : vector<16xi32>
    %scan3A = arith.constant 0 : i32
    %scan3A_3 = arith.constant -1 : i32
    %scan3A_4 = arith.constant 0 : i32
    %scan3A_5 = arith.constant 512 : i32
    %scan3A_6 = arith.addi %scan3A_4, %scan3A_5 : i32
    %scan3A_7 = arith.constant 1 : i32
    %scan3A_8:2 = scf.for %scan3A_64 = %scan3A_4 to %scan3A_6 step %scan3A_7 iter_args(%scan3A_65 = %scan3A, %scan3A_66 = %scan3A_3) -> (i32, i32)  : i32 {
      %div3A = arith.constant 16 : i32
      %div3A_67 = arith.divsi %scan3A_64, %div3A : i32
      %mul3A_68 = arith.constant 16 : i32
      %mul3A_69 = arith.muli %div3A_67, %mul3A_68 : i32
      %get3A = arith.index_cast %mul3A_69 : i32 to index
      %get3A_70 = tpu.vector_load %arg10[%get3A] {strides = array<i32>} : memref<512xi32, #tpu.memory_space<vmem>>, vector<16xi32>,
      %rem3A = arith.constant 16 : i32
      %rem3A_71 = arith.remsi %scan3A_64, %rem3A : i32
      %eq3A = vector.broadcast %rem3A_71 : i32 to vector<16xi32>
      %eq3A_72 = arith.cmpi eq, %iota3A, %eq3A : vector<16xi32>
      %jit3A = arith.constant 0 : i32
      %broadcast_in_dim3A = vector.broadcast %jit3A : i32 to vector<16xi32>
      %select_n3A = arith.select %eq3A_72, %get3A_70, %broadcast_in_dim3A : vector<16xi1>, vector<16xi32>
      %reduce_sum3A = arith.constant true
      %reduce_sum3A_73 = vector.broadcast %reduce_sum3A : i1 to vector<16xi1>
      %reduce_sum3A_74 = tpu.scan <sum>, %select_n3A masked %reduce_sum3A_73 : vector<16xi32>, vector<16xi1> -> vector<16xi32>
      %reduce_sum3A_75 = vector.extract %reduce_sum3A_74[15] : i32 from vector<16xi32>
      %shift_right_arithmetic3A = arith.constant 7 : i32
      %shift_right_arithmetic3A_76 = arith.shrsi %reduce_sum3A_75, %shift_right_arithmetic3A : i32
      %eq3A_77 = arith.constant 0 : i32
      %eq3A_78 = arith.cmpi eq, %scan3A_64, %eq3A_77 : i32
      %ne3A = arith.cmpi ne, %shift_right_arithmetic3A_76, %scan3A_66 : i32
      %or3A = arith.ori %eq3A_78, %ne3A : i1
      %add3A_79 = arith.constant 1 : i32
      %add3A_80 = arith.addi %scan3A_65, %add3A_79 : i32
      %select_n3A_81 = arith.select %or3A, %add3A_80, %scan3A_65 : i32
      %convert_element_type3A_82 = arith.extui %or3A : i1 to i32
      %cond3A_83 = arith.constant 0 : i32
      %cond3A_84 = arith.cmpi ne, %convert_element_type3A_82, %cond3A_83 : i32
      scf.if %cond3A_84 {
        %sub3A = arith.constant 1 : i32
        %sub3A_85 = arith.subi %select_n3A_81, %sub3A : i32
        %swap3A = arith.index_cast %sub3A_85 : i32 to index
        %swap3A_86 = memref.load %arg6[%swap3A] : memref<512xi32, #tpu.memory_space<smem>>
        memref.store %shift_right_arithmetic3A_76, %arg6[%swap3A] : memref<512xi32, #tpu.memory_space<smem>>
      } else {
      }
      scf.yield %select_n3A_81, %shift_right_arithmetic3A_76 : i32, i32
    }
    %scan3A_9 = arith.constant 512 : i32
    %gt3A = arith.constant 0 : i32
    %gt3A_10 = arith.cmpi sgt, %scan3A_8#0, %gt3A : i32
    %convert_element_type3A = arith.extui %gt3A_10 : i1 to i32
    %cond3A = arith.constant 0 : i32
    %cond3A_11 = arith.cmpi ne, %convert_element_type3A, %cond3A : i32
    scf.if %cond3A_11 {
      %get3A = arith.constant 0 : i32
      %get3A_64 = arith.index_cast %get3A : i32 to index
      %get3A_65 = memref.load %arg6[%get3A_64] : memref<512xi32, #tpu.memory_space<smem>>
      %mul3A_66 = arith.constant 128 : i32
      %mul3A_67 = arith.muli %get3A_65, %mul3A_66 : i32
      %multiple_of3A = tpu.assume_multiple %mul3A_67, 128 : i32
      %multiple_of3A_68 = arith.constant 0 : i32
      %multiple_of3A_69 = tpu.assume_multiple %multiple_of3A_68, 64 : i32
      %dma_start3A = arith.constant 0 : i32
      %dma_start3A_70 = tpu.memref_slice %arg7[%multiple_of3A_69, %dma_start3A] : memref<448x128xf32, #tpu.memory_space<vmem>> -> memref<64x128xf32, #tpu.memory_space<vmem>>
      %dma_start3A_71 = arith.constant 0 : i32
      %dma_start3A_72 = tpu.memref_slice %arg2[%dma_start3A_71, %multiple_of3A] : memref<64x1000000xf32, #tpu.memory_space<hbm>> -> memref<64x128xf32, #tpu.memory_space<hbm>>
      %dma_start3A_73 = arith.constant 0 : i32
      %dma_start3A_74 = tpu.memref_slice %arg7[%multiple_of3A_69, %dma_start3A_73] : memref<448x128xf32, #tpu.memory_space<vmem>> -> memref<64x128xf32, #tpu.memory_space<vmem>>
      %dma_start3A_75 = arith.constant 0 : i32
      %dma_start3A_76 = tpu.memref_slice %arg2[%dma_start3A_75, %multiple_of3A] : memref<64x1000000xf32, #tpu.memory_space<hbm>> -> memref<64x128xf32, #tpu.memory_space<hbm>>
      tpu.enqueue_dma source(%dma_start3A_76 : memref<64x128xf32, #tpu.memory_space<hbm>>) target(%dma_start3A_74 : memref<64x128xf32, #tpu.memory_space<vmem>>) target_semaphore(%arg11 : memref<!tpu.dma_semaphore, #tpu.memory_space<semaphore_mem>>)
    } else {
    }
    %gt3A_12 = arith.constant 1 : i32
    %gt3A_13 = arith.cmpi sgt, %scan3A_8#0, %gt3A_12 : i32
    %convert_element_type3A_14 = arith.extui %gt3A_13 : i1 to i32
    %cond3A_15 = arith.constant 0 : i32
    %cond3A_16 = arith.cmpi ne, %convert_element_type3A_14, %cond3A_15 : i32
    scf.if %cond3A_16 {
      %get3A = arith.constant 1 : i32
      %get3A_64 = arith.index_cast %get3A : i32 to index
      %get3A_65 = memref.load %arg6[%get3A_64] : memref<512xi32, #tpu.memory_space<smem>>
      %mul3A_66 = arith.constant 128 : i32
      %mul3A_67 = arith.muli %get3A_65, %mul3A_66 : i32
      %multiple_of3A = tpu.assume_multiple %mul3A_67, 128 : i32
      %multiple_of3A_68 = arith.constant 64 : i32
      %multiple_of3A_69 = tpu.assume_multiple %multiple_of3A_68, 64 : i32
      %dma_start3A = arith.constant 0 : i32
      %dma_start3A_70 = tpu.memref_slice %arg7[%multiple_of3A_69, %dma_start3A] : memref<448x128xf32, #tpu.memory_space<vmem>> -> memref<64x128xf32, #tpu.memory_space<vmem>>
      %dma_start3A_71 = arith.constant 0 : i32
      %dma_start3A_72 = tpu.memref_slice %arg2[%dma_start3A_71, %multiple_of3A] : memref<64x1000000xf32, #tpu.memory_space<hbm>> -> memref<64x128xf32, #tpu.memory_space<hbm>>
      %dma_start3A_73 = arith.constant 0 : i32
      %dma_start3A_74 = tpu.memref_slice %arg7[%multiple_of3A_69, %dma_start3A_73] : memref<448x128xf32, #tpu.memory_space<vmem>> -> memref<64x128xf32, #tpu.memory_space<vmem>>
      %dma_start3A_75 = arith.constant 0 : i32
      %dma_start3A_76 = tpu.memref_slice %arg2[%dma_start3A_75, %multiple_of3A] : memref<64x1000000xf32, #tpu.memory_space<hbm>> -> memref<64x128xf32, #tpu.memory_space<hbm>>
      tpu.enqueue_dma source(%dma_start3A_76 : memref<64x128xf32, #tpu.memory_space<hbm>>) target(%dma_start3A_74 : memref<64x128xf32, #tpu.memory_space<vmem>>) target_semaphore(%arg11 : memref<!tpu.dma_semaphore, #tpu.memory_space<semaphore_mem>>)
    } else {
    }
    %gt3A_17 = arith.constant 2 : i32
    %gt3A_18 = arith.cmpi sgt, %scan3A_8#0, %gt3A_17 : i32
    %convert_element_type3A_19 = arith.extui %gt3A_18 : i1 to i32
    %cond3A_20 = arith.constant 0 : i32
    %cond3A_21 = arith.cmpi ne, %convert_element_type3A_19, %cond3A_20 : i32
    scf.if %cond3A_21 {
      %get3A = arith.constant 2 : i32
      %get3A_64 = arith.index_cast %get3A : i32 to index
      %get3A_65 = memref.load %arg6[%get3A_64] : memref<512xi32, #tpu.memory_space<smem>>
      %mul3A_66 = arith.constant 128 : i32
      %mul3A_67 = arith.muli %get3A_65, %mul3A_66 : i32
      %multiple_of3A = tpu.assume_multiple %mul3A_67, 128 : i32
      %multiple_of3A_68 = arith.constant 128 : i32
      %multiple_of3A_69 = tpu.assume_multiple %multiple_of3A_68, 64 : i32
      %dma_start3A = arith.constant 0 : i32
      %dma_start3A_70 = tpu.memref_slice %arg7[%multiple_of3A_69, %dma_start3A] : memref<448x128xf32, #tpu.memory_space<vmem>> -> memref<64x128xf32, #tpu.memory_space<vmem>>
      %dma_start3A_71 = arith.constant 0 : i32
      %dma_start3A_72 = tpu.memref_slice %arg2[%dma_start3A_71, %multiple_of3A] : memref<64x1000000xf32, #tpu.memory_space<hbm>> -> memref<64x128xf32, #tpu.memory_space<hbm>>
      %dma_start3A_73 = arith.constant 0 : i32
      %dma_start3A_74 = tpu.memref_slice %arg7[%multiple_of3A_69, %dma_start3A_73] : memref<448x128xf32, #tpu.memory_space<vmem>> -> memref<64x128xf32, #tpu.memory_space<vmem>>
      %dma_start3A_75 = arith.constant 0 : i32
      %dma_start3A_76 = tpu.memref_slice %arg2[%dma_start3A_75, %multiple_of3A] : memref<64x1000000xf32, #tpu.memory_space<hbm>> -> memref<64x128xf32, #tpu.memory_space<hbm>>
      tpu.enqueue_dma source(%dma_start3A_76 : memref<64x128xf32, #tpu.memory_space<hbm>>) target(%dma_start3A_74 : memref<64x128xf32, #tpu.memory_space<vmem>>) target_semaphore(%arg11 : memref<!tpu.dma_semaphore, #tpu.memory_space<semaphore_mem>>)
    } else {
    }
    %gt3A_22 = arith.constant 3 : i32
    %gt3A_23 = arith.cmpi sgt, %scan3A_8#0, %gt3A_22 : i32
    %convert_element_type3A_24 = arith.extui %gt3A_23 : i1 to i32
    %cond3A_25 = arith.constant 0 : i32
    %cond3A_26 = arith.cmpi ne, %convert_element_type3A_24, %cond3A_25 : i32
    scf.if %cond3A_26 {
      %get3A = arith.constant 3 : i32
      %get3A_64 = arith.index_cast %get3A : i32 to index
      %get3A_65 = memref.load %arg6[%get3A_64] : memref<512xi32, #tpu.memory_space<smem>>
      %mul3A_66 = arith.constant 128 : i32
      %mul3A_67 = arith.muli %get3A_65, %mul3A_66 : i32
      %multiple_of3A = tpu.assume_multiple %mul3A_67, 128 : i32
      %multiple_of3A_68 = arith.constant 192 : i32
      %multiple_of3A_69 = tpu.assume_multiple %multiple_of3A_68, 64 : i32
      %dma_start3A = arith.constant 0 : i32
      %dma_start3A_70 = tpu.memref_slice %arg7[%multiple_of3A_69, %dma_start3A] : memref<448x128xf32, #tpu.memory_space<vmem>> -> memref<64x128xf32, #tpu.memory_space<vmem>>
      %dma_start3A_71 = arith.constant 0 : i32
      %dma_start3A_72 = tpu.memref_slice %arg2[%dma_start3A_71, %multiple_of3A] : memref<64x1000000xf32, #tpu.memory_space<hbm>> -> memref<64x128xf32, #tpu.memory_space<hbm>>
      %dma_start3A_73 = arith.constant 0 : i32
      %dma_start3A_74 = tpu.memref_slice %arg7[%multiple_of3A_69, %dma_start3A_73] : memref<448x128xf32, #tpu.memory_space<vmem>> -> memref<64x128xf32, #tpu.memory_space<vmem>>
      %dma_start3A_75 = arith.constant 0 : i32
      %dma_start3A_76 = tpu.memref_slice %arg2[%dma_start3A_75, %multiple_of3A] : memref<64x1000000xf32, #tpu.memory_space<hbm>> -> memref<64x128xf32, #tpu.memory_space<hbm>>
      tpu.enqueue_dma source(%dma_start3A_76 : memref<64x128xf32, #tpu.memory_space<hbm>>) target(%dma_start3A_74 : memref<64x128xf32, #tpu.memory_space<vmem>>) target_semaphore(%arg11 : memref<!tpu.dma_semaphore, #tpu.memory_space<semaphore_mem>>)
    } else {
    }
    %gt3A_27 = arith.constant 4 : i32
    %gt3A_28 = arith.cmpi sgt, %scan3A_8#0, %gt3A_27 : i32
    %convert_element_type3A_29 = arith.extui %gt3A_28 : i1 to i32
    %cond3A_30 = arith.constant 0 : i32
    %cond3A_31 = arith.cmpi ne, %convert_element_type3A_29, %cond3A_30 : i32
    scf.if %cond3A_31 {
      %get3A = arith.constant 4 : i32
      %get3A_64 = arith.index_cast %get3A : i32 to index
      %get3A_65 = memref.load %arg6[%get3A_64] : memref<512xi32, #tpu.memory_space<smem>>
      %mul3A_66 = arith.constant 128 : i32
      %mul3A_67 = arith.muli %get3A_65, %mul3A_66 : i32
      %multiple_of3A = tpu.assume_multiple %mul3A_67, 128 : i32
      %multiple_of3A_68 = arith.constant 256 : i32
      %multiple_of3A_69 = tpu.assume_multiple %multiple_of3A_68, 64 : i32
      %dma_start3A = arith.constant 0 : i32
      %dma_start3A_70 = tpu.memref_slice %arg7[%multiple_of3A_69, %dma_start3A] : memref<448x128xf32, #tpu.memory_space<vmem>> -> memref<64x128xf32, #tpu.memory_space<vmem>>
      %dma_start3A_71 = arith.constant 0 : i32
      %dma_start3A_72 = tpu.memref_slice %arg2[%dma_start3A_71, %multiple_of3A] : memref<64x1000000xf32, #tpu.memory_space<hbm>> -> memref<64x128xf32, #tpu.memory_space<hbm>>
      %dma_start3A_73 = arith.constant 0 : i32
      %dma_start3A_74 = tpu.memref_slice %arg7[%multiple_of3A_69, %dma_start3A_73] : memref<448x128xf32, #tpu.memory_space<vmem>> -> memref<64x128xf32, #tpu.memory_space<vmem>>
      %dma_start3A_75 = arith.constant 0 : i32
      %dma_start3A_76 = tpu.memref_slice %arg2[%dma_start3A_75, %multiple_of3A] : memref<64x1000000xf32, #tpu.memory_space<hbm>> -> memref<64x128xf32, #tpu.memory_space<hbm>>
      tpu.enqueue_dma source(%dma_start3A_76 : memref<64x128xf32, #tpu.memory_space<hbm>>) target(%dma_start3A_74 : memref<64x128xf32, #tpu.memory_space<vmem>>) target_semaphore(%arg11 : memref<!tpu.dma_semaphore, #tpu.memory_space<semaphore_mem>>)
    } else {
    }
    %gt3A_32 = arith.constant 5 : i32
    %gt3A_33 = arith.cmpi sgt, %scan3A_8#0, %gt3A_32 : i32
    %convert_element_type3A_34 = arith.extui %gt3A_33 : i1 to i32
    %cond3A_35 = arith.constant 0 : i32
    %cond3A_36 = arith.cmpi ne, %convert_element_type3A_34, %cond3A_35 : i32
    scf.if %cond3A_36 {
      %get3A = arith.constant 5 : i32
      %get3A_64 = arith.index_cast %get3A : i32 to index
      %get3A_65 = memref.load %arg6[%get3A_64] : memref<512xi32, #tpu.memory_space<smem>>
      %mul3A_66 = arith.constant 128 : i32
      %mul3A_67 = arith.muli %get3A_65, %mul3A_66 : i32
      %multiple_of3A = tpu.assume_multiple %mul3A_67, 128 : i32
      %multiple_of3A_68 = arith.constant 320 : i32
      %multiple_of3A_69 = tpu.assume_multiple %multiple_of3A_68, 64 : i32
      %dma_start3A = arith.constant 0 : i32
      %dma_start3A_70 = tpu.memref_slice %arg7[%multiple_of3A_69, %dma_start3A] : memref<448x128xf32, #tpu.memory_space<vmem>> -> memref<64x128xf32, #tpu.memory_space<vmem>>
      %dma_start3A_71 = arith.constant 0 : i32
      %dma_start3A_72 = tpu.memref_slice %arg2[%dma_start3A_71, %multiple_of3A] : memref<64x1000000xf32, #tpu.memory_space<hbm>> -> memref<64x128xf32, #tpu.memory_space<hbm>>
      %dma_start3A_73 = arith.constant 0 : i32
      %dma_start3A_74 = tpu.memref_slice %arg7[%multiple_of3A_69, %dma_start3A_73] : memref<448x128xf32, #tpu.memory_space<vmem>> -> memref<64x128xf32, #tpu.memory_space<vmem>>
      %dma_start3A_75 = arith.constant 0 : i32
      %dma_start3A_76 = tpu.memref_slice %arg2[%dma_start3A_75, %multiple_of3A] : memref<64x1000000xf32, #tpu.memory_space<hbm>> -> memref<64x128xf32, #tpu.memory_space<hbm>>
      tpu.enqueue_dma source(%dma_start3A_76 : memref<64x128xf32, #tpu.memory_space<hbm>>) target(%dma_start3A_74 : memref<64x128xf32, #tpu.memory_space<vmem>>) target_semaphore(%arg11 : memref<!tpu.dma_semaphore, #tpu.memory_space<semaphore_mem>>)
    } else {
    }
    %scan3A_37 = arith.constant -1 : i32
    %scan3A_38 = arith.constant -1 : i32
    %scan3A_39 = arith.constant 0 : i32
    %scan3A_40 = arith.constant 512 : i32
    %scan3A_41 = arith.addi %scan3A_39, %scan3A_40 : i32
    %scan3A_42 = arith.constant 1 : i32
    %scan3A_43:2 = scf.for %scan3A_64 = %scan3A_39 to %scan3A_41 step %scan3A_42 iter_args(%scan3A_65 = %scan3A_37, %scan3A_66 = %scan3A_38) -> (i32, i32)  : i32 {
      %div3A = arith.constant 16 : i32
      %div3A_67 = arith.divsi %scan3A_64, %div3A : i32
      %mul3A_68 = arith.constant 16 : i32
      %mul3A_69 = arith.muli %div3A_67, %mul3A_68 : i32
      %get3A = arith.index_cast %mul3A_69 : i32 to index
      %get3A_70 = tpu.vector_load %arg10[%get3A] {strides = array<i32>} : memref<512xi32, #tpu.memory_space<vmem>>, vector<16xi32>,
      %rem3A = arith.constant 16 : i32
      %rem3A_71 = arith.remsi %scan3A_64, %rem3A : i32
      %eq3A = vector.broadcast %rem3A_71 : i32 to vector<16xi32>
      %eq3A_72 = arith.cmpi eq, %iota3A, %eq3A : vector<16xi32>
      %jit3A = arith.constant 0 : i32
      %broadcast_in_dim3A = vector.broadcast %jit3A : i32 to vector<16xi32>
      %select_n3A = arith.select %eq3A_72, %get3A_70, %broadcast_in_dim3A : vector<16xi1>, vector<16xi32>
      %reduce_sum3A = arith.constant true
      %reduce_sum3A_73 = vector.broadcast %reduce_sum3A : i1 to vector<16xi1>
      %reduce_sum3A_74 = tpu.scan <sum>, %select_n3A masked %reduce_sum3A_73 : vector<16xi32>, vector<16xi1> -> vector<16xi32>
      %reduce_sum3A_75 = vector.extract %reduce_sum3A_74[15] : i32 from vector<16xi32>
      %shift_right_arithmetic3A = arith.constant 7 : i32
      %shift_right_arithmetic3A_76 = arith.shrsi %reduce_sum3A_75, %shift_right_arithmetic3A : i32
      %eq3A_77 = arith.constant 0 : i32
      %eq3A_78 = arith.cmpi eq, %scan3A_64, %eq3A_77 : i32
      %ne3A = arith.cmpi ne, %shift_right_arithmetic3A_76, %scan3A_66 : i32
      %or3A = arith.ori %eq3A_78, %ne3A : i1
      %add3A_79 = arith.constant 1 : i32
      %add3A_80 = arith.addi %scan3A_65, %add3A_79 : i32
      %select_n3A_81 = arith.select %or3A, %add3A_80, %scan3A_65 : i32
      %convert_element_type3A_82 = arith.extui %or3A : i1 to i32
      %cond3A_83 = arith.constant 0 : i32
      %cond3A_84 = arith.cmpi ne, %convert_element_type3A_82, %cond3A_83 : i32
      scf.if %cond3A_84 {
        %dma_wait3A_194 = arith.constant 0 : i32
        %dma_wait3A_195 = arith.constant 0 : i32
        %dma_wait3A_196 = tpu.memref_slice %arg7[%dma_wait3A_194, %dma_wait3A_195] : memref<448x128xf32, #tpu.memory_space<vmem>> -> memref<64x128xf32, #tpu.memory_space<vmem>>
        %dma_wait3A_197 = arith.constant 0 : i32
        %dma_wait3A_198 = arith.constant 0 : i32
        %dma_wait3A_199 = tpu.memref_slice %arg2[%dma_wait3A_197, %dma_wait3A_198] : memref<64x1000000xf32, #tpu.memory_space<hbm>> -> memref<64x128xf32, #tpu.memory_space<hbm>>
        %dma_wait3A_200 = arith.constant 0 : i32
        %dma_wait3A_201 = arith.constant 0 : i32
        %dma_wait3A_202 = tpu.memref_slice %arg7[%dma_wait3A_200, %dma_wait3A_201] : memref<448x128xf32, #tpu.memory_space<vmem>> -> memref<64x128xf32, #tpu.memory_space<vmem>>
        %dma_wait3A_203 = arith.constant 0 : i32
        %dma_wait3A_204 = arith.constant 0 : i32
        %dma_wait3A_205 = tpu.memref_slice %arg2[%dma_wait3A_203, %dma_wait3A_204] : memref<64x1000000xf32, #tpu.memory_space<hbm>> -> memref<64x128xf32, #tpu.memory_space<hbm>>
        tpu.wait_dma2 semaphore(%arg11 : memref<!tpu.dma_semaphore, #tpu.memory_space<semaphore_mem>>) src(%dma_wait3A_205 : memref<64x128xf32, #tpu.memory_space<hbm>>) dst(%dma_wait3A_202 : memref<64x128xf32, #tpu.memory_space<vmem>>)
        %add3A_206 = arith.constant 7 : i32
        %add3A_207 = arith.addi %select_n3A_81, %add3A_206 : i32
        %sub3A = arith.constant 1 : i32
        %sub3A_208 = arith.subi %add3A_207, %sub3A : i32
        %lt3A = arith.cmpi slt, %sub3A_208, %scan3A_8#0 : i32
        %convert_element_type3A_209 = arith.extui %lt3A : i1 to i32
        %cond3A_210 = arith.constant 0 : i32
        %cond3A_211 = arith.cmpi ne, %convert_element_type3A_209, %cond3A_210 : i32
        scf.if %cond3A_211 {
          %rem3A_212 = arith.constant 7 : i32
          %rem3A_213 = arith.remsi %sub3A_208, %rem3A_212 : i32
          %get3A_214 = arith.index_cast %sub3A_208 : i32 to index
          %get3A_215 = memref.load %arg6[%get3A_214] : memref<512xi32, #tpu.memory_space<smem>>
          %mul3A_216 = arith.constant 128 : i32
          %mul3A_217 = arith.muli %get3A_215, %mul3A_216 : i32
          %multiple_of3A = tpu.assume_multiple %mul3A_217, 128 : i32
          %mul3A_218 = arith.constant 64 : i32
          %mul3A_219 = arith.muli %rem3A_213, %mul3A_218 : i32
          %multiple_of3A_220 = tpu.assume_multiple %mul3A_219, 64 : i32
          %dma_start3A = arith.constant 0 : i32
          %dma_start3A_221 = tpu.memref_slice %arg7[%multiple_of3A_220, %dma_start3A] : memref<448x128xf32, #tpu.memory_space<vmem>> -> memref<64x128xf32, #tpu.memory_space<vmem>>
          %dma_start3A_222 = arith.constant 0 : i32
          %dma_start3A_223 = tpu.memref_slice %arg2[%dma_start3A_222, %multiple_of3A] : memref<64x1000000xf32, #tpu.memory_space<hbm>> -> memref<64x128xf32, #tpu.memory_space<hbm>>
          %dma_start3A_224 = arith.constant 0 : i32
          %dma_start3A_225 = tpu.memref_slice %arg7[%multiple_of3A_220, %dma_start3A_224] : memref<448x128xf32, #tpu.memory_space<vmem>> -> memref<64x128xf32, #tpu.memory_space<vmem>>
          %dma_start3A_226 = arith.constant 0 : i32
          %dma_start3A_227 = tpu.memref_slice %arg2[%dma_start3A_226, %multiple_of3A] : memref<64x1000000xf32, #tpu.memory_space<hbm>> -> memref<64x128xf32, #tpu.memory_space<hbm>>
          tpu.enqueue_dma source(%dma_start3A_227 : memref<64x128xf32, #tpu.memory_space<hbm>>) target(%dma_start3A_225 : memref<64x128xf32, #tpu.memory_space<vmem>>) target_semaphore(%arg11 : memref<!tpu.dma_semaphore, #tpu.memory_space<semaphore_mem>>)
        } else {
        }
      } else {
      }
      %rem3A_85 = arith.constant 128 : i32
      %rem3A_86 = arith.remsi %scan3A_64, %rem3A_85 : i32
      %eq3A_87 = arith.constant 0 : i32
      %eq3A_88 = arith.cmpi eq, %rem3A_86, %eq3A_87 : i32
      %ge3A = arith.constant 256 : i32
      %ge3A_89 = arith.cmpi sge, %scan3A_64, %ge3A : i32
      %and3A = arith.andi %eq3A_88, %ge3A_89 : i1
      %convert_element_type3A_90 = arith.extui %and3A : i1 to i32
      %cond3A_91 = arith.constant 0 : i32
      %cond3A_92 = arith.cmpi ne, %convert_element_type3A_90, %cond3A_91 : i32
      scf.if %cond3A_92 {
        %dma_wait3A_194 = arith.constant 0 : i32
        %dma_wait3A_195 = arith.constant 0 : i32
        %dma_wait3A_196 = arith.constant 0 : i32
        %dma_wait3A_197 = tpu.memref_slice %arg8[%dma_wait3A_195, %dma_wait3A_196] : memref<256x128xf32, #tpu.memory_space<vmem>> -> memref<128x128xf32, #tpu.memory_space<vmem>>
        %dma_wait3A_198 = arith.constant 0 : i32
        %dma_wait3A_199 = tpu.memref_slice %arg9[%dma_wait3A_194, %dma_wait3A_198] : memref<4x128xi32, #tpu.memory_space<vmem>> -> memref<1x128xi32, #tpu.memory_space<vmem>>
        %dma_wait3A_200 = tpu.memref_squeeze %dma_wait3A_199 : memref<1x128xi32, #tpu.memory_space<vmem>> -> memref<128xi32, #tpu.memory_space<vmem>>
        %dma_wait3A_201 = arith.constant 0 : i32
        %dma_wait3A_202 = arith.constant 0 : i32
        %dma_wait3A_203 = tpu.memref_slice %arg5[%dma_wait3A_201, %dma_wait3A_202] : memref<16384x128xf32, #tpu.memory_space<hbm>> -> memref<16384x128xf32, #tpu.memory_space<hbm>>
        tpu.wait_indirect_dma semaphore(%arg12 : memref<!tpu.dma_semaphore, #tpu.memory_space<semaphore_mem>>) src(%dma_wait3A_197 : memref<128x128xf32, #tpu.memory_space<vmem>>) dst(%dma_wait3A_203 : memref<16384x128xf32, #tpu.memory_space<hbm>>)
      } else {
      }
      %rem3A_93 = arith.constant 7 : i32
      %rem3A_94 = arith.remsi %select_n3A_81, %rem3A_93 : i32
      %div3A_95 = arith.constant 128 : i32
      %div3A_96 = arith.divsi %scan3A_64, %div3A_95 : i32
      %rem3A_97 = arith.constant 2 : i32
      %rem3A_98 = arith.remsi %div3A_96, %rem3A_97 : i32
      %mul3A_99 = arith.constant 128 : i32
      %mul3A_100 = arith.muli %rem3A_98, %mul3A_99 : i32
      %rem3A_101 = arith.constant 128 : i32
      %rem3A_102 = arith.remsi %scan3A_64, %rem3A_101 : i32
      %add3A_103 = arith.addi %mul3A_100, %rem3A_102 : i32
      %and3A_104 = arith.constant 127 : i32
      %and3A_105 = arith.andi %reduce_sum3A_75, %and3A_104 : i32
      %mul3A_106 = arith.constant 64 : i32
      %mul3A_107 = arith.muli %rem3A_94, %mul3A_106 : i32
      %add3A_108 = arith.constant 0 : i32
      %add3A_109 = arith.addi %mul3A_107, %add3A_108 : i32
      %add3A_110 = vector.broadcast %add3A_109 : i32 to vector<16xi32>
      %add3A_111 = arith.addi %add3A_110, %iota3A : vector<16xi32>
      %mul3A_112 = arith.constant 0 : i32
      %mul3A_113 = vector.broadcast %mul3A_112 : i32 to vector<16xi32>
      %mul3A_114 = arith.muli %iota3A, %mul3A_113 : vector<16xi32>
      %add3A_115 = vector.broadcast %and3A_105 : i32 to vector<16xi32>
      %add3A_116 = arith.addi %mul3A_114, %add3A_115 : vector<16xi32>
      %gather3A = tpu.vector_load_idx %arg7[%add3A_111, %add3A_116] : memref<448x128xf32, #tpu.memory_space<vmem>>[vector<16xi32>, vector<16xi32>], vector<16xf32>,
      %mul3A_117 = arith.constant 0 : i32
      %mul3A_118 = vector.broadcast %mul3A_117 : i32 to vector<16xi32>
      %mul3A_119 = arith.muli %iota3A, %mul3A_118 : vector<16xi32>
      %add3A_120 = vector.broadcast %add3A_103 : i32 to vector<16xi32>
      %add3A_121 = arith.addi %mul3A_119, %add3A_120 : vector<16xi32>
      %add3A_122 = arith.constant 0 : i32
      %add3A_123 = vector.broadcast %add3A_122 : i32 to vector<16xi32>
      %add3A_124 = arith.addi %add3A_123, %iota3A : vector<16xi32>
      tpu.vector_store_idx %arg8[%add3A_121, %add3A_124], %gather3A : memref<256x128xf32, #tpu.memory_space<vmem>>[vector<16xi32>, vector<16xi32>], vector<16xf32>,
      %mul3A_125 = arith.constant 64 : i32
      %mul3A_126 = arith.muli %rem3A_94, %mul3A_125 : i32
      %add3A_127 = arith.constant 16 : i32
      %add3A_128 = arith.addi %mul3A_126, %add3A_127 : i32
      %add3A_129 = vector.broadcast %add3A_128 : i32 to vector<16xi32>
      %add3A_130 = arith.addi %add3A_129, %iota3A : vector<16xi32>
      %mul3A_131 = arith.constant 0 : i32
      %mul3A_132 = vector.broadcast %mul3A_131 : i32 to vector<16xi32>
      %mul3A_133 = arith.muli %iota3A, %mul3A_132 : vector<16xi32>
      %add3A_134 = vector.broadcast %and3A_105 : i32 to vector<16xi32>
      %add3A_135 = arith.addi %mul3A_133, %add3A_134 : vector<16xi32>
      %gather3A_136 = tpu.vector_load_idx %arg7[%add3A_130, %add3A_135] : memref<448x128xf32, #tpu.memory_space<vmem>>[vector<16xi32>, vector<16xi32>], vector<16xf32>,
      %mul3A_137 = arith.constant 0 : i32
      %mul3A_138 = vector.broadcast %mul3A_137 : i32 to vector<16xi32>
      %mul3A_139 = arith.muli %iota3A, %mul3A_138 : vector<16xi32>
      %add3A_140 = vector.broadcast %add3A_103 : i32 to vector<16xi32>
      %add3A_141 = arith.addi %mul3A_139, %add3A_140 : vector<16xi32>
      %add3A_142 = arith.constant 16 : i32
      %add3A_143 = vector.broadcast %add3A_142 : i32 to vector<16xi32>
      %add3A_144 = arith.addi %add3A_143, %iota3A : vector<16xi32>
      tpu.vector_store_idx %arg8[%add3A_141, %add3A_144], %gather3A_136 : memref<256x128xf32, #tpu.memory_space<vmem>>[vector<16xi32>, vector<16xi32>], vector<16xf32>,
      %mul3A_145 = arith.constant 64 : i32
      %mul3A_146 = arith.muli %rem3A_94, %mul3A_145 : i32
      %add3A_147 = arith.constant 32 : i32
      %add3A_148 = arith.addi %mul3A_146, %add3A_147 : i32
      %add3A_149 = vector.broadcast %add3A_148 : i32 to vector<16xi32>
      %add3A_150 = arith.addi %add3A_149, %iota3A : vector<16xi32>
      %mul3A_151 = arith.constant 0 : i32
      %mul3A_152 = vector.broadcast %mul3A_151 : i32 to vector<16xi32>
      %mul3A_153 = arith.muli %iota3A, %mul3A_152 : vector<16xi32>
      %add3A_154 = vector.broadcast %and3A_105 : i32 to vector<16xi32>
      %add3A_155 = arith.addi %mul3A_153, %add3A_154 : vector<16xi32>
      %gather3A_156 = tpu.vector_load_idx %arg7[%add3A_150, %add3A_155] : memref<448x128xf32, #tpu.memory_space<vmem>>[vector<16xi32>, vector<16xi32>], vector<16xf32>,
      %mul3A_157 = arith.constant 0 : i32
      %mul3A_158 = vector.broadcast %mul3A_157 : i32 to vector<16xi32>
      %mul3A_159 = arith.muli %iota3A, %mul3A_158 : vector<16xi32>
      %add3A_160 = vector.broadcast %add3A_103 : i32 to vector<16xi32>
      %add3A_161 = arith.addi %mul3A_159, %add3A_160 : vector<16xi32>
      %add3A_162 = arith.constant 32 : i32
      %add3A_163 = vector.broadcast %add3A_162 : i32 to vector<16xi32>
      %add3A_164 = arith.addi %add3A_163, %iota3A : vector<16xi32>
      tpu.vector_store_idx %arg8[%add3A_161, %add3A_164], %gather3A_156 : memref<256x128xf32, #tpu.memory_space<vmem>>[vector<16xi32>, vector<16xi32>], vector<16xf32>,
      %mul3A_165 = arith.constant 64 : i32
      %mul3A_166 = arith.muli %rem3A_94, %mul3A_165 : i32
      %add3A_167 = arith.constant 48 : i32
      %add3A_168 = arith.addi %mul3A_166, %add3A_167 : i32
      %add3A_169 = vector.broadcast %add3A_168 : i32 to vector<16xi32>
      %add3A_170 = arith.addi %add3A_169, %iota3A : vector<16xi32>
      %mul3A_171 = arith.constant 0 : i32
      %mul3A_172 = vector.broadcast %mul3A_171 : i32 to vector<16xi32>
      %mul3A_173 = arith.muli %iota3A, %mul3A_172 : vector<16xi32>
      %add3A_174 = vector.broadcast %and3A_105 : i32 to vector<16xi32>
      %add3A_175 = arith.addi %mul3A_173, %add3A_174 : vector<16xi32>
      %gather3A_176 = tpu.vector_load_idx %arg7[%add3A_170, %add3A_175] : memref<448x128xf32, #tpu.memory_space<vmem>>[vector<16xi32>, vector<16xi32>], vector<16xf32>,
      %mul3A_177 = arith.constant 0 : i32
      %mul3A_178 = vector.broadcast %mul3A_177 : i32 to vector<16xi32>
      %mul3A_179 = arith.muli %iota3A, %mul3A_178 : vector<16xi32>
      %add3A_180 = vector.broadcast %add3A_103 : i32 to vector<16xi32>
      %add3A_181 = arith.addi %mul3A_179, %add3A_180 : vector<16xi32>
      %add3A_182 = arith.constant 48 : i32
      %add3A_183 = vector.broadcast %add3A_182 : i32 to vector<16xi32>
      %add3A_184 = arith.addi %add3A_183, %iota3A : vector<16xi32>
      tpu.vector_store_idx %arg8[%add3A_181, %add3A_184], %gather3A_176 : memref<256x128xf32, #tpu.memory_space<vmem>>[vector<16xi32>, vector<16xi32>], vector<16xf32>,
      %add3A_185 = arith.constant 1 : i32
      %add3A_186 = arith.addi %scan3A_64, %add3A_185 : i32
      %rem3A_187 = arith.constant 128 : i32
      %rem3A_188 = arith.remsi %add3A_186, %rem3A_187 : i32
      %eq3A_189 = arith.constant 0 : i32
      %eq3A_190 = arith.cmpi eq, %rem3A_188, %eq3A_189 : i32
      %convert_element_type3A_191 = arith.extui %eq3A_190 : i1 to i32
      %cond3A_192 = arith.constant 0 : i32
      %cond3A_193 = arith.cmpi ne, %convert_element_type3A_191, %cond3A_192 : i32
      scf.if %cond3A_193 {
        %add3A_194 = arith.constant 1 : i32
        %add3A_195 = arith.addi %scan3A_64, %add3A_194 : i32
        %div3A_196 = arith.constant 128 : i32
        %div3A_197 = arith.divsi %add3A_195, %div3A_196 : i32
        %sub3A = arith.constant 1 : i32
        %sub3A_198 = arith.subi %div3A_197, %sub3A : i32
        %rem3A_199 = arith.constant 2 : i32
        %rem3A_200 = arith.remsi %sub3A_198, %rem3A_199 : i32
        %mul3A_201 = arith.constant 128 : i32
        %mul3A_202 = arith.muli %rem3A_200, %mul3A_201 : i32
        %multiple_of3A = tpu.assume_multiple %mul3A_202, 128 : i32
        %dma_start3A = arith.constant 0 : i32
        %dma_start3A_203 = tpu.memref_slice %arg8[%multiple_of3A, %dma_start3A] : memref<256x128xf32, #tpu.memory_space<vmem>> -> memref<128x128xf32, #tpu.memory_space<vmem>>
        %dma_start3A_204 = arith.constant 0 : i32
        %dma_start3A_205 = tpu.memref_slice %arg9[%sub3A_198, %dma_start3A_204] : memref<4x128xi32, #tpu.memory_space<vmem>> -> memref<1x128xi32, #tpu.memory_space<vmem>>
        %dma_start3A_206 = tpu.memref_squeeze %dma_start3A_205 : memref<1x128xi32, #tpu.memory_space<vmem>> -> memref<128xi32, #tpu.memory_space<vmem>>
        %dma_start3A_207 = arith.constant 0 : i32
        %dma_start3A_208 = arith.constant 0 : i32
        %dma_start3A_209 = tpu.memref_slice %arg5[%dma_start3A_207, %dma_start3A_208] : memref<16384x128xf32, #tpu.memory_space<hbm>> -> memref<16384x128xf32, #tpu.memory_space<hbm>>
        tpu.enqueue_indirect_dma source(%dma_start3A_203 : memref<128x128xf32, #tpu.memory_space<vmem>>) target(%dma_start3A_209 : memref<16384x128xf32, #tpu.memory_space<hbm>>) offsets(%dma_start3A_206 : memref<128xi32, #tpu.memory_space<vmem>>) semaphore(%arg12 : memref<!tpu.dma_semaphore, #tpu.memory_space<semaphore_mem>>)
      } else {
      }
      scf.yield %select_n3A_81, %shift_right_arithmetic3A_76 : i32, i32
    }
    %scan3A_44 = arith.constant 512 : i32
    %dma_wait3A = arith.constant 0 : i32
    %dma_wait3A_45 = arith.constant 0 : i32
    %dma_wait3A_46 = arith.constant 0 : i32
    %dma_wait3A_47 = tpu.memref_slice %arg8[%dma_wait3A_45, %dma_wait3A_46] : memref<256x128xf32, #tpu.memory_space<vmem>> -> memref<128x128xf32, #tpu.memory_space<vmem>>
    %dma_wait3A_48 = arith.constant 0 : i32
    %dma_wait3A_49 = tpu.memref_slice %arg9[%dma_wait3A, %dma_wait3A_48] : memref<4x128xi32, #tpu.memory_space<vmem>> -> memref<1x128xi32, #tpu.memory_space<vmem>>
    %dma_wait3A_50 = tpu.memref_squeeze %dma_wait3A_49 : memref<1x128xi32, #tpu.memory_space<vmem>> -> memref<128xi32, #tpu.memory_space<vmem>>
    %dma_wait3A_51 = arith.constant 0 : i32
    %dma_wait3A_52 = arith.constant 0 : i32
    %dma_wait3A_53 = tpu.memref_slice %arg5[%dma_wait3A_51, %dma_wait3A_52] : memref<16384x128xf32, #tpu.memory_space<hbm>> -> memref<16384x128xf32, #tpu.memory_space<hbm>>
    tpu.wait_indirect_dma semaphore(%arg12 : memref<!tpu.dma_semaphore, #tpu.memory_space<semaphore_mem>>) src(%dma_wait3A_47 : memref<128x128xf32, #tpu.memory_space<vmem>>) dst(%dma_wait3A_53 : memref<16384x128xf32, #tpu.memory_space<hbm>>)
    %dma_wait3A_54 = arith.constant 0 : i32
    %dma_wait3A_55 = arith.constant 0 : i32
    %dma_wait3A_56 = arith.constant 0 : i32
    %dma_wait3A_57 = tpu.memref_slice %arg8[%dma_wait3A_55, %dma_wait3A_56] : memref<256x128xf32, #tpu.memory_space<vmem>> -> memref<128x128xf32, #tpu.memory_space<vmem>>
    %dma_wait3A_58 = arith.constant 0 : i32
    %dma_wait3A_59 = tpu.memref_slice %arg9[%dma_wait3A_54, %dma_wait3A_58] : memref<4x128xi32, #tpu.memory_space<vmem>> -> memref<1x128xi32, #tpu.memory_space<vmem>>
    %dma_wait3A_60 = tpu.memref_squeeze %dma_wait3A_59 : memref<1x128xi32, #tpu.memory_space<vmem>> -> memref<128xi32, #tpu.memory_space<vmem>>
    %dma_wait3A_61 = arith.constant 0 : i32
    %dma_wait3A_62 = arith.constant 0 : i32
    %dma_wait3A_63 = tpu.memref_slice %arg5[%dma_wait3A_61, %dma_wait3A_62] : memref<16384x128xf32, #tpu.memory_space<hbm>> -> memref<16384x128xf32, #tpu.memory_space<hbm>>
    tpu.wait_indirect_dma semaphore(%arg12 : memref<!tpu.dma_semaphore, #tpu.memory_space<semaphore_mem>>) src(%dma_wait3A_57 : memref<128x128xf32, #tpu.memory_space<vmem>>) dst(%dma_wait3A_63 : memref<16384x128xf32, #tpu.memory_space<hbm>>)
    return
  }
}

</mosaic_0001>

<sc_bundles>
// kernel: kernel.3.cloned.1.call-start
scs
__scs_entry_jumppad:
0x0: {  	(pc) =	sbr.rel $0x88, $3  }
0x1: {  	(tag) =	ssettag $0x0;
	lr =	simm.s32 $0x1  }
0x2: {  	[smem:$0x3F9F] =	sst lr;
	_ =	strace $0xD0000000  }
0x3: {  	_ = 	snop  }
0x4: {  	_ = 	snop  }
0x5: {  	_ = 	snop  }
0x6: {  	_ = 	snop  }
0x7: {  	_ = 	snop  }
__scs_overlays_trampoline_lowered:
0x8: {  	[smem:$0x3FAE] =	sst s0  }
0x9: {  	[smem:$0x3FAF] =	sst s1  }
0xa: {  	[smem:$0x3FB0] =	sst s2  }
0xb: {  	[smem:$0x3FB1] =	sst s3  }
0xc: {  	[smem:$0x3FB2] =	sst s4  }
0xd: {  	[smem:$0x3FB3] =	sst s5  }
0xe: {  	[smem:$0x3FB4] =	sst s6  }
0xf: {  	[smem:$0x3FB5] =	sst s7  }
0x10: {  	[smem:$0x3FB6] =	sst s8  }
0x11: {  	[smem:$0x3FB7] =	sst s9;
	s0 =	simm.s32 @!p0 $0x0  }
0x12: {  	s1 =	sld [smem:$0x3F9D];
	s0 =	simm.s32 @p0 $0x1  }
0x13: {  	[smem:$0x3FB8] =	sst s0;
	s0 =	simm.s32 @!p1 $0x0  }
0x14: {  	s2 =	sld [smem:$0x3F9C];
	s0 =	simm.s32 @p1 $0x1  }
0x15: {  	[smem:$0x3FB9] =	sst s0;
	s0 =	simm.s32 @!p2 $0x0  }
0x16: {  	s3 =	sld [smem:$0x3FDB];
	s0 =	simm.s32 @p2 $0x1  }
0x17: {  	s4 =	simm.s32 $0x1BF5;
	[smem:$0x3FBB] =	sst s0  }
0x18: {  	s0 =	sld [smem:$0x3F9E];
	_ =	swait.ge [sflag:s4], $0x0  }
0x19: {  	s7 =	sld [smem:$0x3F9F]  }
0x1a: {  	s8 =	sadd.s32 $0xFFFFE003, lr  }
0x1b: {  	s9 =	sadd.s32 $0xFFFFFEF7, lr;
	s5 =	simm.s32 $0xFFFFFFFF;
	p2 =	slt.u32 s8, $0xFFFFF086  }
0x1c: {  	p1 =	slt.u32 s9, $0xF7A;
	s5 =	simm.s32 @!p2 $0x0  }
0x1d: {  	s5 =	simm.s32 @p1 $0x1;
	p0 =	seq.s32 s7, s2  }
0x1e: {  	s7 =	smul.u32 @!p0 $0xF7A, s2;
	p2 =	seq.s32 @!p0 s5, $0x0  }
0x1f: {  	s9 =	smul.u32 $0xF7A, s1;
	s8 =	simm.s32 @!p0 $0x1BF5;
	p2 =	por !p2, p0  }
0x20: {  	[sflag:s8] =	ssyncset.s32 @!p0 $0xFFFFF086;
	s6 =	sadd.s32 @!p0 s3, s7;
	s7 =	simm.s32 @!p0 $0x108  }
0x21: {  	s3 =	sadd.s32 s3, s9;
	s6 =	sadd.s32 @!p0 $0x88, s6;
	s7 =	simm.s32 @p2 $0x1082  }
0x22: {  	[simem:s7], [sflag:s8] =	dma.local @!p0 [hbm:s6], $0xF7A  }
0x23: {  	s9 =	sor.u32 $0xD0000000, s2;
	s6 =	simm.s32 $0x108;
	_ =	swait.ge @!p0 [sflag:s8], $0x0  }
0x24: {  	s3 =	sadd.s32 $0x88, s3;
	s6 =	simm.s32 @!p1 $0x1082;
	[sflag:s4] =	ssyncset.s32 $0xFFFFF086  }
0x25: {  	[simem:s6], [sflag:s4] =	dma.local [hbm:s3], $0xF7A  }
0x26: {  	[smem:$0x3F9F] =	sst s1;
	(tag) =	ssettag s2;
	_ =	strace s9  }
0x27: {  	s1 =	sld [smem:$0x3FAF]  }
0x28: {  	s2 =	sld [smem:$0x3FB0]  }
0x29: {  	s4 =	sld [smem:$0x3FB2]  }
0x2a: {  	p0 =	seq.s32 s5, $0x0;
	s5 =	sld [smem:$0x3FB3]  }
0x2b: {  	s6 =	sld [smem:$0x3FB4]  }
0x2c: {  	s7 =	sld [smem:$0x3FB5]  }
0x2d: {  	s3 =	simm.s32 $0x108;
	s8 =	sld [smem:$0x3FB6]  }
0x2e: {  	s3 =	simm.s32 @!p0 $0x1082;
	s9 =	sld [smem:$0x3FB7]  }
0x2f: {  	lr =	sadd.s32 s0, s3;
	s0 =	sld [smem:$0x3FAE]  }
0x30: {  	s3 =	sld [smem:$0x3FB1]  }
0x31: {  	[smem:$0x3FBA] =	sst s10  }
0x32: {  	s10 =	sld [smem:$0x3FB8];
	_ =	sdelay $0x3  }
0x33: {  	p0 =	seq.s32 s10, $0x1;
	s10 =	sld [smem:$0x3FBA];
	_ =	sdelay $0x3  }
0x34: {  	[smem:$0x3FBA] =	sst s10  }
0x35: {  	s10 =	sld [smem:$0x3FB9];
	_ =	sdelay $0x3  }
0x36: {  	p1 =	seq.s32 s10, $0x1;
	s10 =	sld [smem:$0x3FBA];
	_ =	sdelay $0x3  }
0x37: {  	[smem:$0x3FBA] =	sst s10  }
0x38: {  	s10 =	sld [smem:$0x3FBB]  }
0x39: {  	_ = 	snop;
	(pc) =	sbr.ind lr, $3  }
0x3a: {  	_ = 	snop  }
0x3b: {  	_ = 	snop  }
0x3c: {  	p2 =	seq.s32 s10, $0x1;
	s10 =	sld [smem:$0x3FBA]  }
0x3d: {  	_ =	shalt  }
0x3e: {  	_ =	shalt  }
0x3f: {  	_ =	shalt  }
0x40: {  	_ =	shalt  }
0x41: {  	_ =	shalt  }
0x42: {  	_ =	shalt  }
0x43: {  	_ =	shalt  }
0x44: {  	_ =	shalt  }
0x45: {  	_ =	shalt  }
0x46: {  	_ =	shalt  }
0x47: {  	_ =	shalt  }
0x48: {  	_ =	shalt  }
0x49: {  	_ =	shalt  }
0x4a: {  	_ =	shalt  }
0x4b: {  	_ =	shalt  }
0x4c: {  	_ =	shalt  }
0x4d: {  	_ =	shalt  }
0x4e: {  	_ =	shalt  }
0x4f: {  	_ =	shalt  }
0x50: {  	_ =	shalt  }
0x51: {  	_ =	shalt  }
0x52: {  	_ =	shalt  }
0x53: {  	_ =	shalt  }
0x54: {  	_ =	shalt  }
0x55: {  	_ =	shalt  }
0x56: {  	_ =	shalt  }
0x57: {  	_ =	shalt  }
0x58: {  	_ =	shalt  }
0x59: {  	_ =	shalt  }
0x5a: {  	_ =	shalt  }
0x5b: {  	_ =	shalt  }
0x5c: {  	_ =	shalt  }
0x5d: {  	_ =	shalt  }
0x5e: {  	_ =	shalt  }
0x5f: {  	_ =	shalt  }
0x60: {  	_ =	shalt  }
0x61: {  	_ =	shalt  }
0x62: {  	_ =	shalt  }
0x63: {  	_ =	shalt  }
0x64: {  	_ =	shalt  }
0x65: {  	_ =	shalt  }
0x66: {  	_ =	shalt  }
0x67: {  	_ =	shalt  }
0x68: {  	_ =	shalt  }
0x69: {  	_ =	shalt  }
0x6a: {  	_ =	shalt  }
0x6b: {  	_ =	shalt  }
0x6c: {  	_ =	shalt  }
0x6d: {  	_ =	shalt  }
0x6e: {  	_ =	shalt  }
0x6f: {  	_ =	shalt  }
0x70: {  	_ =	shalt  }
0x71: {  	_ =	shalt  }
0x72: {  	_ =	shalt  }
0x73: {  	_ =	shalt  }
0x74: {  	_ =	shalt  }
0x75: {  	_ =	shalt  }
0x76: {  	_ =	shalt  }
0x77: {  	_ =	shalt  }
0x78: {  	_ =	shalt  }
0x79: {  	_ =	shalt  }
0x7a: {  	_ =	shalt  }
0x7b: {  	_ =	shalt  }
0x7c: {  	_ =	shalt  }
0x7d: {  	_ =	shalt  }
0x7e: {  	_ =	shalt  }
0x7f: {  	_ =	shalt  }
0x80: {  	_ =	shalt  }
0x81: {  	_ =	shalt  }
0x82: {  	_ =	shalt  }
0x83: {  	_ =	shalt  }
0x84: {  	_ =	shalt  }
0x85: {  	_ =	shalt  }
0x86: {  	_ =	shalt  }
0x87: {  	_ =	shalt  }
.Lfunc_end0:
.L_simem_size_0:
called_computation_lowered:
.L_overlay_start_0:
0x88: {  	s2 =	sld [smem:$0x3FD9]  }
0x89: {  	s3 =	sld [smem:$0x3FFE];
	_ =	sdelay $0x1  }
0x8a: {  	s1 =	srdreg.scid  }
0x8b: {  	s0 =	sand.u32 $0x1, s1  }
0x8c: {  	s17 =	sshll.u32 s0, $0xA;
	s2 =	sadd.s32 s3, s2  }
0x8d: {  	s2 =	sadd.s32 s2, s17  }
0x8e: {  	[smem:$0x3FC6] =	sst s2  }
0x8f: {  	_ = 	snop  }
0x90: {  	s2 =	sld [smem:$0x3FC9]  }
0x91: {  	s18 =	sld [smem:$0x3FD0];
	(tm) =	ssettm $0x1  }
0x92: {  	s4 =	sld [smem:$0x3FFB];
	_ =	sdelay $0x3  }
0x93: {  	_ =	strace s4  }
0x94: {  	s4 =	sld [smem:$0x3FFC];
	_ =	sdelay $0x3  }
0x95: {  	_ =	strace s4  }
0x96: {  	s4 =	sld [smem:$0x3FFD];
	_ =	sdelay $0x3  }
0x97: {  	_ =	strace s4  }
0x98: {  	_ =	strace $0x8FFFFFFF  }
0x99: {  	s19 =	sld [smem:$0x3FDB];
	_ =	sdelay $0x1  }
0x9a: {  	s5 =	simm.s32 $_scs_section_size  }
0x9b: {  	s6 =	simm.s32 $_size__tile_overlayer_lowered;
	s7 =	simm.s32 $_tile_overlayer_lowered  }
0x9c: {  	s22 =	simm.s32 $0x1BFF;
	s21 =	sshll.u32 s7, $0x1;
	s4 =	sadd.s32 s5, s19  }
0x9d: {  	s8 =	simm.s32 $0x0;
	s20 =	sshll.u32 s6, $0x1;
	s6 =	sadd.s32 s21, s4  }
0x9e: {  	[timem:s8], [sflag:s22] =	dma.local [hbm:s6], s20  }
0x9f: {  	_ =	swait.ge [sflag:s22], s20  }
0xa0: {  	s5 =	ssub.s32 $0x0, s20;
	[sflag:s22] =	ssyncset.done $0x0  }
0xa1: {  	[sflag:s22] =	ssyncadd.s32 s5;
	_ =	sdelay $0x1  }
0xa2: {  	s23 =	simm.s32 $0x1B8B  }
0xa3: {  	_ =	swait.ge [sflag:s23], $0x1  }
0xa4: {  	[sflag:s23] =	ssyncset.done $0x0  }
0xa5: {  	s25 =	simm.s32 $0x1B8E;
	s24 =	sld [smem:$0x3FFE];
	[sflag:s23] =	ssyncadd.s32 $0xFFFFFFFF  }
0xa6: {  	s26 =	simm.s32 $execute0_lowered;
	[smem:$0x3FD2] =	sst s25  }
0xa7: {  	s6 =	sshll.u32 s26, $0x1;
	_ =	strace $0x80000046;
	[dreg:$0x1] =	wrdreg $0xFFFFFFFF  }
0xa8: {  	s28 =	simm.s32 $_size_execute0_lowered;
	s4 =	sadd.s32 s4, s6;
	[dreg:$0x0] =	wrdreg $0x0  }
0xa9: {  	s6 =	sshll.u32 s28, $0x1;
	[dreg:$0x2] =	wrdreg s4  }
0xaa: {  	[dreg:$0x3] =	wrdreg s6  }
0xab: {  	[dreg:$0x4] =	wrdreg $0xC0  }
0xac: {  	_ =	task [dreg:s8], $0x5FFFF  }
0xad: {  	[dreg:$0x1] =	wrdreg $0xFFFFFFFF  }
0xae: {  	[dreg:$0x0] =	wrdreg $0x60  }
0xaf: {  	[dreg:$0x2] =	wrdreg s2  }
0xb0: {  	[dreg:$0x3] =	wrdreg s18  }
0xb1: {  	[dreg:$0x4] =	wrdreg s24  }
0xb2: {  	[dreg:$0x5] =	wrdreg $0x9  }
0xb3: {  	_ =	task.clear_ibuf [dreg:s8], $0x6FFFF;
	_ =	strace $0x90000046  }
0xb4: {  	s29 =	simm.s32 $0x9;
	_ =	strace $0x80000048  }
0xb5: {  	_ =	swait.ge [sflag:s29], $0x1  }
0xb6: {  	[sflag:s29] =	ssyncadd.s32 $0xFFFFFFFF  }
0xb7: {  	_ =	strace $0x90000048  }
0xb8: {  	_ =	sfence  }
0xb9: {  	s30 =	sld [smem:$0x0];
	_ =	sdelay $0x2  }
0xba: {  	s31 =	sshll.u32 s1, $0xD;
	s1 =	sshrl.u32 s1, $0x2  }
0xbb: {  	s3 =	sand.u32 $0x4000, s31;
	s1 =	sadd.s32 s1, s30  }
0xbc: {  	s0 =	sor.u32 s3, s0;
	s1 =	sshll.u32 s1, $0x11  }
0xbd: {  	s0 =	sor.u32 s1, s0  }
0xbe: {  	s0 =	sadd.s32 $0x8F2B, s0  }
0xbf: {  	[sflag:s0] =	ssyncadd.remote.s32 $0x1  }
0xc0: {  	_ =	sfence.sel $0xFFFF  }
0xc1: {  	[dreg:$0x0] =	wrdreg $0xFFFFFFFF;
	(pc) =	sbr.abs _section_cstart, $3  }
0xc2: {  	[dreg:$0x1] =	wrdreg $0xFFFFFFFF  }
0xc3: {  	_ =	task.clear_ibuf [dreg:s8], $0x2FFFF;
	_ =	strace $0x9FFFFFFF  }
0xc4: {  	(tm) =	ssettm $0x7FFFFFFF  }
0xc5: {  	_ =	shalt  }
tec
execute0_lowered:
.L_overlay_start_1:
0x0: {  	(tag) =	ssettag $0x1  }
0x1: {  	s1 =	rddreg [dreg:$0x0]  }
0x2: {  	s4 =	rddreg [dreg:$0x1]  }
0x3: {  	s5 =	rddreg [dreg:$0x2]  }
0x4: {  	s3 =	simm.s32 $0x0;
	s6 =	srdreg.scid;
	s0 =	stileid.u32  }
0x5: {  	s11 =	simm.s32 $0xE000;
	s12 =	simm.s32 $0x2;
	s13 =	simm.s32 $0x400  }
0x6: {  	s14 =	simm.s32 $0x7A1400;
	s15 =	simm.s32 $0x2000;
	s16 =	simm.s32 $0x0  }
0x7: {  	[smem:$0x7FF] =	sst s3;
	s6 =	sand.u32 $0x1, s6;
	s8 =	sshll.u32 s0, $0x7  }
0x8: {  	s9 =	sadd.s32 $0x800, s5;
	_ =	strace $0x80000047;
	s7 =	ssub.s32 $0x2, s6  }
0x9: {  	s6 =	sshll.u32 s6, $0x6;
	[dreg:$0x4] =	wrdreg s9;
	s9 =	simm.s32 $0x16000  }
0xa: {  	v0 =	vlaneseq.u32;
	s10 =	sshrl.u32 s7, $0x1;
	s6 =	sor.u32 s6, s8;
	s8 =	simm.s32 $0x3  }
0xb: {  	vm0 =	vmmov $0x1;
	v1 =	vmul.u32 $0x80, v0;
	s7 =	ssub.s32 s7, s10;
	s4 =	sadd.s32 s4, s6;
	s5 =	sadd.s32 s5, s6  }
0xc: {  	v2 =	vor.u32 $0x10, v0;
	v3 =	vor.u32 $0x20, v0;
	v4 =	vor.u32 $0x30, v0;
	s10 =	simm.s32 $0x1;
	s6 =	smax.u32 s7, $0x1;
	s7 =	simm.s32 $0x16200  }
.LBB2_1:
0xd: {  	[tilespmem:s7], [sflag:$0x3] =	stream.linear.gather [hbm4b:s4+s3], $0x200, $0x38;
	[tilespmem:$0x16400] =	vst v63  }
0xe: {  	_ =	swait.ge [sflag:s8], $0x200  }
0xf: {  	[sflag:s8] =	ssyncset.done $0x0  }
0x10: {  	[sflag:s8] =	ssyncadd.s32 $0xFFFFFE00  }
0x11: {  	[tilespmem:s9], [sflag:$0x3] =	stream.linear.gather [hbm4b:s5+s3], $0x200, $0x38;
	[tilespmem:$0x16400] =	vst v63  }
0x12: {  	_ =	swait.ge [sflag:s8], $0x200  }
0x13: {  	[sflag:s8] =	ssyncset.done $0x0  }
0x14: {  	s17 =	simm.s32 $0x4;
	[sflag:s8] =	ssyncadd.s32 $0xFFFFFE00  }
0x15: {  	s17 =	sand.u32 $0x7C0, s17;
	v5 =	vld [tilespmem:$0x16200]  }
0x16: {  	s17 =	sshrl.u32 s17, $0x2  }
0x17: {  	v6 =	vld [tilespmem:s17+$0x16200];
	_ =	sdelay $0x1  }
0x18: {  	s19 =	sand.u32 $0xF, s10  }
0x19: {  	v7 =	vmov s19;
	v5 =	vnsel vm0, $0x0, v5  }
0x1a: {  	vm1 =	veq.s32 v7, v0;
	(xrf0) =	vadd.scan.msk.s32 $0xffff, v5  }
0x1b: {  	v5 =	vnsel vm1, $0x0, v6  }
0x1c: {  	(xrf0) =	vadd.scan.msk.s32 $0xffff, v5;
	_ =	sdelay $0x3  }
0x1d: {  	s20 =	simm.s32 $0x8;
	v5, _, _ =	vpop (xrf0)  }
0x1e: {  	s17 =	sand.u32 $0x7C0, s20;
	(v2sf) =	vpush v5, $0xF  }
0x1f: {  	s17 =	sshrl.u32 s17, $0x2;
	v5, _, _ =	vpop (xrf0)  }
0x20: {  	s18 =	simm.s32 $0xC;
	(v2sf) =	vpush v5, $0xF;
	v5 =	vld [tilespmem:s17+$0x16200]  }
0x21: {  	s23 =	simm.s32 $0x2;
	s18 =	sand.u32 $0x7C0, s18;
	s19 =	simm.s32 $0x10  }
0x22: {  	s21 =	sshrl.u32 s18, $0x2;
	s22 =	sand.u32 $0x7C0, s19;
	s19 =	sand.u32 $0xF, s23  }
0x23: {  	s24 =	sshrl.u32 s22, $0x2;
	v8 =	vmov s19;
	v6 =	vld [tilespmem:s21+$0x16200]  }
0x24: {  	s25 =	simm.s32 $0x3;
	v7 =	vld [tilespmem:s24+$0x16200];
	vm1 =	veq.s32 v8, v0  }
0x25: {  	s26 =	simm.s32 $0x4;
	s18 =	sand.u32 $0xF, s25;
	v5 =	vnsel vm1, $0x0, v5  }
0x26: {  	v62 =	vmov s18;
	s17 =	sand.u32 $0xF, s26;
	(xrf0) =	vadd.scan.msk.s32 $0xffff, v5  }
0x27: {  	v63 =	vmov s17;
	vm1 =	veq.s32 v62, v0  }
0x28: {  	v5 =	vnsel vm1, $0x0, v6;
	vm1 =	veq.s32 v63, v0  }
0x29: {  	s28 =	simm.s32 $0x14;
	(xrf0) =	vadd.scan.msk.s32 $0xffff, v5;
	v5 =	vnsel vm1, $0x0, v7  }
0x2a: {  	s17 =	sand.u32 $0x7C0, s28;
	(xrf0) =	vadd.scan.msk.s32 $0xffff, v5  }
0x2b: {  	s31 =	simm.s32 $0x5;
	s17 =	sshrl.u32 s17, $0x2  }
0x2c: {  	v5 =	vld [tilespmem:s17+$0x16200];
	s17 =	sand.u32 $0xF, s31;
	v6, _, _ =	vpop (xrf0)  }
0x2d: {  	v7 =	vmov s17;
	s29 =	spop (v2sf);
	(v2sf) =	vpush v6, $0xF;
	_ =	sdelay $0x1  }
0x2e: {  	v6, _, _ =	vpop (xrf0)  }
0x2f: {  	vm1 =	veq.s32 v7, v0;
	s20 =	spop (v2sf);
	(v2sf) =	vpush v6, $0xF;
	v7, _, _ =	vpop (xrf0)  }
0x30: {  	(v2sf) =	vpush v7, $0xF;
	_ =	sdelay $0x3  }
0x31: {  	s23 =	simm.s32 $0x1;
	s18 =	simm.s32 $0x18  }
0x32: {  	s22 =	sand.u32 $0x7C0, s18;
	s30 =	sshra.s32 s29, $0x7;
	s17 =	sshra.s32 s20, $0x7  }
0x33: {  	s22 =	sshrl.u32 s22, $0x2;
	s21 =	simm.s32 $0x6;
	v6 =	vnsel vm1, $0x0, v5;
	p0 =	sne.s32 s17, s30  }
0x34: {  	s21 =	sand.u32 $0xF, s21;
	v5 =	vld [tilespmem:s22+$0x16200];
	[smem:$0x0] =	sst s30;
	(xrf0) =	vadd.scan.msk.s32 $0xffff, v6;
	s23 =	simm.s32 @!p0 $0x0  }
0x35: {  	s20 =	simm.s32 $0x7;
	p0 =	seq.s32 s17, s30;
	s19 =	sadd.s32 $0x1, s23  }
.LBB2_2:
0x36: {  	v6 =	vmov s21;
	s18 =	sadd.s32 $0x4, s18;
	s21 =	smov.u32 s20;
	s20 =	sadd.s32 $0x1, s20  }
0x37: {  	[smem:s19+$0xFFFFFFFF] =	sst @!p0 s17;
	s22 =	smov.u32 s17;
	p1 =	sne.s32 s20, $0x200  }
.Ltmp0:
0x38: {  	s17 =	sand.u32 $0x7C0, s18;
	vm1 =	veq.s32 v6, v0;
	s23 =	spop (v2sf);
	(pc) =	sbr.rel @p1 .LBB2_2-.Ltmp0, $4  }
0x39: {  	s24 =	sshrl.u32 s17, $0x2;
	v7 =	vnsel vm1, $0x0, v5;
	s17 =	sshra.s32 s23, $0x7  }
0x3a: {  	s23 =	simm.s32 $0x1;
	v5 =	vld [tilespmem:s24+$0x16200];
	(xrf0) =	vadd.scan.msk.s32 $0xffff, v7;
	v6, _, _ =	vpop (xrf0);
	p0 =	sne.s32 s17, s22  }
0x3b: {  	(v2sf) =	vpush v6, $0xF;
	s23 =	simm.s32 @!p0 $0x0  }
0x3c: {  	s21 =	sand.u32 $0xF, s21;
	p0 =	seq.s32 s17, s22;
	s19 =	sadd.s32 s23, s19  }
0x3d: {  	v6 =	vmov s21  }
0x3e: {  	vm1 =	veq.s32 v6, v0  }
0x3f: {  	v5 =	vnsel vm1, $0x0, v5  }
0x40: {  	(xrf0) =	vadd.scan.msk.s32 $0xffff, v5;
	_ =	sdelay $0x4  }
0x41: {  	v5, _, _ =	vpop (xrf0)  }
0x42: {  	(v2sf) =	vpush v5, $0xF;
	v5, _, _ =	vpop (xrf0)  }
0x43: {  	(v2sf) =	vpush v5, $0xF;
	_ =	sdelay $0x4  }
0x44: {  	s18 =	spop (v2sf)  }
0x45: {  	s18 =	sshra.s32 s18, $0x7  }
0x46: {  	s20 =	simm.s32 $0x1;
	p1 =	sne.s32 s18, s17  }
0x47: {  	[smem:s19+$0xFFFFFFFF] =	sst @!p0 s17;
	s28 =	spop (v2sf);
	s20 =	simm.s32 @!p1 $0x0  }
0x48: {  	p0 =	seq.s32 s18, s17;
	s17 =	sadd.s32 s20, s19;
	s19 =	sshra.s32 s28, $0x7  }
0x49: {  	s20 =	simm.s32 $0x1;
	[smem:s17+$0xFFFFFFFF] =	sst @!p0 s18;
	p0 =	sne.s32 s19, s18  }
0x4a: {  	s21 =	simm.s32 $0x1;
	s20 =	simm.s32 @!p0 $0x0;
	s29 =	spop (v2sf)  }
0x4b: {  	p0 =	seq.s32 s19, s18;
	s17 =	sadd.s32 s20, s17;
	s18 =	sshra.s32 s29, $0x7  }
0x4c: {  	s20 =	simm.s32 $0x1;
	[smem:s17+$0xFFFFFFFF] =	sst @!p0 s19;
	p1 =	sne.s32 s18, s19  }
0x4d: {  	p0 =	seq.s32 s18, s19;
	s20 =	simm.s32 @!p1 $0x0;
	s30 =	spop (v2sf)  }
0x4e: {  	s17 =	sadd.s32 s20, s17;
	s19 =	sshra.s32 s30, $0x7;
	s31 =	spop (v2sf)  }
0x4f: {  	[smem:s17+$0xFFFFFFFF] =	sst @!p0 s18;
	p0 =	sne.s32 s19, s18;
	s20 =	sshra.s32 s31, $0x7  }
0x50: {  	s22 =	simm.s32 $0x1;
	s21 =	simm.s32 @!p0 $0x0;
	p0 =	sne.s32 s20, s19  }
0x51: {  	p1 =	seq.s32 s19, s18;
	s17 =	sadd.s32 s21, s17;
	s22 =	simm.s32 @!p0 $0x0  }
0x52: {  	[smem:s17+$0xFFFFFFFF] =	sst @!p1 s19;
	p0 =	seq.s32 s20, s19;
	s17 =	sadd.s32 s22, s17  }
0x53: {  	[smem:s17+$0xFFFFFFFF] =	sst @!p0 s20;
	p0 =	slt.s32 s17, $0x1  }
0x54: {  	s18 =	sld @!p0 [smem:$0x0];
	_ =	sdelay $0x2  }
0x55: {  	s19 =	simm.s32 @!p0 $0x400;
	s18 =	sshll.u32 @!p0 s18, $0x7  }
0x56: {  	s20 =	simm.s32 @!p0 $0x7A1400;
	s18 =	sand.u32 @!p0 $0x1FFFFF80, s18  }
0x57: {  	s21 =	simm.s32 @!p0 $0x0;
	p1 =	seq.s32 @!p0 s17, $0x1;
	s18 =	sadd.s32 @!p0 s1, s18  }
0x58: {  	[tilespmem:s21], [sflag:$0x1] =	stream.strided.gather @!p0 [hbm4b:s18+s19], $0x2000, s20, s19, $0x38;
	[tilespmem:$0x16400] =	vst v63  }
0x59: {  	p0 =	por p0, p1  }
.Ltmp1:
0x5a: {  	_ = 	snop;
	(pc) =	sbr.rel @p0 .LBB2_5-.Ltmp1, $1  }
0x5b: {  	_ =	sdelay $0x3  }
0x5c: {  	s18 =	sld [smem:$0x1];
	_ =	sdelay $0x2  }
0x5d: {  	p0 =	slt.u32 s17, $0x3;
	s18 =	sshll.u32 s18, $0x7  }
0x5e: {  	s19 =	sld @!p0 [smem:$0x2];
	s18 =	sand.u32 $0x1FFFFF80, s18  }
0x5f: {  	s18 =	sadd.s32 s1, s18  }
0x60: {  	[tilespmem:s15], [sflag:$0x1] =	stream.strided.gather [hbm4b:s18+s13], $0x2000, s14, s13, $0x38;
	[tilespmem:$0x16400] =	vst v63  }
0x61: {  	s20 =	simm.s32 @!p0 $0x7A1400;
	p2 =	seq.s32 @!p0 s17, $0x3;
	s18 =	sshll.u32 @!p0 s19, $0x7  }
0x62: {  	s21 =	simm.s32 @!p0 $0x4000;
	p3 =	por p2, p0;
	s18 =	sand.u32 @!p0 $0x1FFFFF80, s18  }
0x63: {  	p4 =	slt.u32 @!p3 s17, $0x5;
	s19 =	simm.s32 @!p0 $0x400;
	s18 =	sadd.s32 @!p0 s1, s18  }
0x64: {  	[tilespmem:s21], [sflag:$0x1] =	stream.strided.gather @!p0 [hbm4b:s18+s19], $0x2000, s20, s19, $0x38;
	[tilespmem:$0x16400] =	vst v63  }
0x65: {  	p1 =	por @!p0 p4, p2;
	s18 =	sld @!p3 [smem:$0x3]  }
0x66: {  	p1 =	por p1, p0  }
0x67: {  	p5 =	seq.s32 @!p1 s17, $0x5  }
0x68: {  	s22 =	simm.s32 @!p3 $0x6000;
	p4 =	por @!p3 p5, p4;
	s18 =	sshll.u32 @!p3 s18, $0x7  }
0x69: {  	p2 =	por @!p0 p4, p2;
	s19 =	sld @!p1 [smem:$0x4];
	s18 =	sand.u32 @!p3 $0x1FFFFF80, s18  }
0x6a: {  	s20 =	simm.s32 @!p3 $0x400;
	s21 =	simm.s32 @!p3 $0x7A1400;
	s18 =	sadd.s32 @!p3 s1, s18  }
0x6b: {  	[tilespmem:s22], [sflag:$0x1] =	stream.strided.gather @!p3 [hbm4b:s18+s20], $0x2000, s21, s20, $0x38;
	[tilespmem:$0x16400] =	vst v63  }
0x6c: {  	p0 =	por p2, p0;
	s18 =	sshll.u32 @!p1 s19, $0x7  }
0x6d: {  	s19 =	sld @!p0 [smem:$0x5];
	s20 =	simm.s32 @!p1 $0x400;
	s18 =	sand.u32 @!p1 $0x1FFFFF80, s18  }
0x6e: {  	s21 =	simm.s32 @!p1 $0x7A1400;
	s22 =	simm.s32 @!p1 $0x8000;
	s18 =	sadd.s32 @!p1 s1, s18  }
0x6f: {  	[tilespmem:s22], [sflag:$0x1] =	stream.strided.gather @!p1 [hbm4b:s18+s20], $0x2000, s21, s20, $0x38;
	[tilespmem:$0x16400] =	vst v63  }
0x70: {  	s18 =	sshll.u32 @!p0 s19, $0x7  }
0x71: {  	s19 =	simm.s32 @!p0 $0x400;
	s18 =	sand.u32 @!p0 $0x1FFFFF80, s18  }
0x72: {  	s20 =	simm.s32 @!p0 $0x7A1400;
	s21 =	simm.s32 @!p0 $0xA000;
	s18 =	sadd.s32 @!p0 s1, s18  }
0x73: {  	[tilespmem:s21], [sflag:$0x1] =	stream.strided.gather @!p0 [hbm4b:s18+s19], $0x2000, s20, s19, $0x38;
	[tilespmem:$0x16400] =	vst v63  }
.LBB2_5:
0x74: {  	s18 =	simm.s32 $0x0  }
0x75: {  	s18 =	sand.u32 $0x7C0, s18  }
0x76: {  	s18 =	sshrl.u32 s18, $0x2  }
0x77: {  	v5 =	vld [tilespmem:s18+$0x16200]  }
0x78: {  	s20 =	simm.s32 $0x0  }
0x79: {  	s25 =	sand.u32 $0xF, s20  }
0x7a: {  	v6 =	vmov s25  }
0x7b: {  	vm1 =	veq.s32 v6, v0  }
0x7c: {  	v5 =	vnsel vm1, $0x0, v5  }
0x7d: {  	(xrf0) =	vadd.scan.msk.s32 $0xffff, v5;
	_ =	sdelay $0x5  }
0x7e: {  	v5, _, _ =	vpop (xrf0)  }
0x7f: {  	(v2sf) =	vpush v5, $0xF;
	_ =	sdelay $0xe  }
0x80: {  	s21 =	spop (v2sf)  }
0x81: {  	s19 =	sshra.s32 s21, $0x7  }
0x82: {  	p0 =	por $0x1, $0x1;
	p1 =	sne.s32 s19, $0xFFFFFFFF  }
0x83: {  	s18 =	simm.s32 $0x1;
	p1 =	por p0, p1  }
0x84: {  	s18 =	simm.s32 @!p1 $0x0  }
0x85: {  	s18 =	sadd.s32 $0xFFFFFFFF, s18  }
0x86: {  	s22 =	sadd.s32 @p1 $0x6, s18;
	s23 =	smulhi.u32 $0x92492493, s18;
	s24 =	sshra.s32 s18, $0x1F  }
0x87: {  	s25 =	simm.s32 @p1 $0x1;
	p0 =	sge.s32 @p1 s22, s17;
	s24 =	smul.u32 $0x92492493, s24  }
0x88: {  	_ =	swait.ge @p1 [sflag:s25], $0x2000;
	p0 =	por p0, !p1;
	s23 =	ssub.s32 s23, s18  }
0x89: {  	s26 =	smulhi.u32 @!p0 $0x92492493, s22;
	s28 =	sshra.s32 @!p0 s22, $0x1F;
	s23 =	sadd.s32 s24, s23  }
0x8a: {  	[sflag:s25] =	ssyncset.done @p1 $0x0;
	s24 =	smul.u32 @!p0 $0x92492493, s28;
	s23 =	sadd.s32 s18, s23  }
0x8b: {  	s26 =	ssub.s32 @!p0 s26, s22;
	s28 =	sshrl.u32 s23, $0x1F;
	s23 =	sshrl.u32 s23, $0x2  }
0x8c: {  	[sflag:s25] =	ssyncadd.s32 @p1 $0xFFFFE000;
	s24 =	sadd.s32 @!p0 s24, s26;
	s23 =	sadd.s32 s28, s23  }
0x8d: {  	s25 =	sld @!p0 [smem:s22+$0x0];
	s24 =	sadd.s32 @!p0 s22, s24;
	s23 =	smul.u32 $0x7, s23  }
0x8e: {  	s26 =	sshrl.u32 @!p0 s24, $0x1F;
	s24 =	sshrl.u32 @!p0 s24, $0x2  }
0x8f: {  	s21 =	sand.u32 $0x7F, s21;
	s24 =	sadd.s32 @!p0 s26, s24;
	s23 =	ssub.s32 s18, s23  }
0x90: {  	s25 =	sshll.u32 @!p0 s25, $0x7;
	s24 =	smul.u32 @!p0 $0x7, s24;
	s23 =	sshll.u32 s23, $0x6  }
0x91: {  	p1 =	por $0x1, $0x1;
	s28 =	sand.u32 $0x7F, s20;
	s25 =	sand.u32 @!p0 $0x1FFFFF80, s25;
	v5 =	vmov s23  }
0x92: {  	p2 =	sne.s32 @!p1 s28, $0x0;
	s25 =	sadd.s32 @!p0 s1, s25;
	s22 =	ssub.s32 @!p0 s22, s24;
	v5 =	vshll.u32 v5, $0x7  }
0x93: {  	p1 =	por p2, p1;
	s26 =	simm.s32 @!p0 $0x7A1400;
	s22 =	sshll.u32 @!p0 s22, $0xF;
	v5 =	vor.u32 v1, v5  }
0x94: {  	s28 =	simm.s32 @!p1 $0x2;
	s24 =	simm.s32 @!p0 $0x400;
	s22 =	sshra.s32 @!p0 s22, $0x2;
	v5 =	vor.u32 s21, v5  }
0x95: {  	[tilespmem:s22], [sflag:$0x1] =	stream.strided.gather @!p0 [hbm4b:s25+s24], $0x2000, s26, s24, $0x38;
	[tilespmem:$0x16400] =	vst v63  }
0x96: {  	s26 =	sor.u32 $0x10, s23;
	_ =	swait.ge @!p1 [sflag:s28], $0x4000  }
0x97: {  	s20 =	sand.u32 $0xFF, s20;
	v6 =	vmov s26;
	[sflag:s28] =	ssyncset.done @!p1 $0x0  }
0x98: {  	s20 =	sshll.u32 s20, $0x7;
	v6 =	vshll.u32 v6, $0x7;
	[sflag:s28] =	ssyncadd.s32 @!p1 $0xFFFFC000  }
0x99: {  	v7 =	vor.u32 s20, v0;
	v6 =	vor.u32 v1, v6;
	v5 =	vld.idx.msk [tilespmem:v5+s3+$0x0], $0xffff  }
0x9a: {  	v6 =	vor.u32 s21, v6;
	_ =	sdelay $0x1  }
0x9b: {  	s29 =	sor.u32 $0x20, s23  }
0x9c: {  	v8 =	vmov s29  }
0x9d: {  	v8 =	vshll.u32 v8, $0x7;
	[tilespmem:v7+s11+$0x0] =	vst.idx.msk $0xffff, v5  }
0x9e: {  	s30 =	simm.s32 $0x1;
	v5 =	vor.u32 v1, v8;
	v7 =	vor.u32 s20, v2;
	v6 =	vld.idx.msk [tilespmem:v6+s3+$0x0], $0xffff  }
0x9f: {  	s22 =	sand.u32 $0x7F, s30;
	v5 =	vor.u32 s21, v5  }
0xa0: {  	p1 =	sne.s32 s22, $0x0  }
0xa1: {  	s31 =	sor.u32 $0x30, s23;
	s23 =	simm.s32 @!p1 $0xFFFFFFFF  }
0xa2: {  	s22 =	sand.u32 @!p1 $0x80, s23;
	v8 =	vmov s31  }
0xa3: {  	s22 =	sshrl.u32 @!p1 s22, $0x7;
	v8 =	vshll.u32 v8, $0x7;
	[tilespmem:v7+s11+$0x0] =	vst.idx.msk $0xffff, v6  }
0xa4: {  	s22 =	sadd.s32 @!p1 $0xFFFFFFFF, s22;
	v6 =	vor.u32 v1, v8;
	v7 =	vor.u32 s20, v3;
	v5 =	vld.idx.msk [tilespmem:v5+s3+$0x0], $0xffff  }
0xa5: {  	v6 =	vor.u32 s21, v6;
	s21 =	sand.u32 @!p1 $0xFE, s22  }
0xa6: {  	s22 =	ssub.s32 @!p1 $0xFFFFFFFF, s21  }
0xa7: {  	s24 =	simm.s32 @!p1 $0x80;
	s23 =	sshll.u32 @!p1 s22, $0x18  }
0xa8: {  	s25 =	simm.s32 @!p1 $0x15F80;
	s21 =	simm.s32 $0x4;
	s23 =	sshra.s32 @!p1 s23, $0x18  }
0xa9: {  	s22 =	simm.s32 $0x8;
	s28 =	sand.u32 $0x7C0, s21;
	s26 =	sshll.u32 @!p1 s23, $0x10;
	[tilespmem:v7+s11+$0x0] =	vst.idx.msk $0xffff, v5  }
0xaa: {  	s23 =	rddreg [dreg:$0x4];
	s26 =	sshra.s32 @!p1 s26, $0x2;
	v5 =	vld.idx.msk [tilespmem:v6+s3+$0x0], $0xffff;
	v6 =	vor.u32 s20, v4;
	s20 =	simm.s32 $0x2  }
.LBB2_6:
0xab: {  	_ =	sdelay $0x3  }
0xac: {  	s28 =	sshrl.u32 s28, $0x2;
	s26 =	sadd.s32 @!p1 $0xE000, s26;
	[tilespmem:v6+s11+$0x0] =	vst.idx.msk $0xffff, v5  }
0xad: {  	[hbm4b:s23+s24] =	stream.indirect.scatter @!p1 [tilespmem:s26], [sflag:$0x2], $0x80, s25, s24, $0xb8;
	[tilespmem:$0x16400] =	vst v63  }
0xae: {  	v5 =	vld [tilespmem:s28+$0x16200]  }
0xaf: {  	s25 =	sadd.s32 $0xFFFFFFFF, s20  }
0xb0: {  	s26 =	sand.u32 $0xF, s25  }
0xb1: {  	v6 =	vmov s26  }
0xb2: {  	vm1 =	veq.s32 v6, v0  }
0xb3: {  	v5 =	vnsel vm1, $0x0, v5  }
0xb4: {  	(xrf0) =	vadd.scan.msk.s32 $0xffff, v5;
	_ =	sdelay $0x5  }
0xb5: {  	v5, _, _ =	vpop (xrf0)  }
0xb6: {  	(v2sf) =	vpush v5, $0xF;
	_ =	sdelay $0xe  }
0xb7: {  	s26 =	spop (v2sf)  }
0xb8: {  	s28 =	sshra.s32 s26, $0x7  }
0xb9: {  	s29 =	smov.u32 s22;
	p6 =	seq.s32 s21, $0x0;
	p2 =	sne.s32 s28, s19  }
0xba: {  	s19 =	smov.u32 s28;
	s28 =	simm.s32 $0x1;
	p2 =	por p6, p2  }
0xbb: {  	s21 =	smov.u32 s29;
	s30 =	sand.u32 $0xFF, s25;
	s28 =	simm.s32 @!p2 $0x0  }
0xbc: {  	s23 =	sshll.u32 s30, $0x7;
	s18 =	sadd.s32 s28, s18;
	s28 =	simm.s32 @p2 $0x1  }
0xbd: {  	s29 =	sadd.s32 @p2 $0x6, s18;
	s30 =	smulhi.u32 $0x92492493, s18;
	s31 =	sshra.s32 s18, $0x1F  }
0xbe: {  	_ =	swait.ge @p2 [sflag:s28], $0x2000;
	p1 =	sge.s32 @p2 s29, s17;
	s31 =	smul.u32 $0x92492493, s31  }
0xbf: {  	[sflag:s28] =	ssyncset.done @p2 $0x0;
	p1 =	por p1, !p2;
	s30 =	ssub.s32 s30, s18  }
0xc0: {  	s0 =	smulhi.u32 @!p1 $0x92492493, s29;
	s2 =	sshra.s32 @!p1 s29, $0x1F;
	s30 =	sadd.s32 s31, s30  }
0xc1: {  	[sflag:s28] =	ssyncadd.s32 @p2 $0xFFFFE000;
	s2 =	smul.u32 @!p1 $0x92492493, s2;
	s28 =	sadd.s32 s18, s30  }
0xc2: {  	s0 =	ssub.s32 @!p1 s0, s29;
	s30 =	sshrl.u32 s28, $0x1F;
	s28 =	sshrl.u32 s28, $0x2  }
0xc3: {  	s24 =	sand.u32 $0x7F, s25;
	s0 =	sadd.s32 @!p1 s2, s0;
	s28 =	sadd.s32 s30, s28  }
0xc4: {  	s2 =	sld @!p1 [smem:s29+$0x0];
	s0 =	sadd.s32 @!p1 s29, s0;
	s28 =	smul.u32 $0x7, s28  }
0xc5: {  	p2 =	slt.u32 s25, $0x100;
	s31 =	sshrl.u32 @!p1 s0, $0x1F;
	s0 =	sshrl.u32 @!p1 s0, $0x2  }
0xc6: {  	p3 =	sne.s32 @!p2 s24, $0x0;
	s0 =	sadd.s32 @!p1 s31, s0;
	s31 =	ssub.s32 s18, s28  }
0xc7: {  	s2 =	sshll.u32 @!p1 s2, $0x7;
	s0 =	smul.u32 @!p1 $0x7, s0;
	s25 =	sshll.u32 s31, $0x6  }
0xc8: {  	p2 =	por p3, p2;
	s2 =	sand.u32 @!p1 $0x1FFFFF80, s2;
	v5 =	vmov s25  }
0xc9: {  	s30 =	simm.s32 @!p1 $0x7A1400;
	s2 =	sadd.s32 @!p1 s1, s2;
	s0 =	ssub.s32 @!p1 s29, s0;
	v5 =	vshll.u32 v5, $0x7  }
0xca: {  	s28 =	sor.u32 $0x10, s25;
	s29 =	sand.u32 $0x7F, s26;
	s0 =	sshll.u32 @!p1 s0, $0xF;
	v5 =	vor.u32 v1, v5  }
0xcb: {  	v6 =	vmov s28;
	s26 =	simm.s32 @!p1 $0x400;
	s28 =	simm.s32 @!p2 $0x2;
	s0 =	sshra.s32 @!p1 s0, $0x2;
	v5 =	vor.u32 s29, v5  }
0xcc: {  	[tilespmem:s0], [sflag:$0x1] =	stream.strided.gather @!p1 [hbm4b:s2+s26], $0x2000, s30, s26, $0x38;
	[tilespmem:$0x16400] =	vst v63  }
0xcd: {  	_ =	swait.ge @!p2 [sflag:s28], $0x4000  }
0xce: {  	[sflag:s28] =	ssyncset.done @!p2 $0x0  }
0xcf: {  	v6 =	vshll.u32 v6, $0x7;
	[sflag:s28] =	ssyncadd.s32 @!p2 $0xFFFFC000  }
0xd0: {  	v9 =	vor.u32 s23, v0;
	v6 =	vor.u32 v1, v6;
	v5 =	vld.idx.msk [tilespmem:v5+s3+$0x0], $0xffff  }
0xd1: {  	v6 =	vor.u32 s29, v6;
	_ =	sdelay $0x1  }
0xd2: {  	s31 =	sor.u32 $0x20, s25  }
0xd3: {  	v7 =	vmov s31  }
0xd4: {  	v7 =	vshll.u32 v7, $0x7;
	[tilespmem:v9+s11+$0x0] =	vst.idx.msk $0xffff, v5  }
0xd5: {  	s31 =	sand.u32 $0x7F, s20;
	v7 =	vor.u32 v1, v7;
	v5 =	vld.idx.msk [tilespmem:v6+s3+$0x0], $0xffff;
	v6 =	vor.u32 s23, v2  }
0xd6: {  	v7 =	vor.u32 s29, v7;
	p1 =	sne.s32 s31, $0x0  }
0xd7: {  	s0 =	sshrl.u32 @!p1 s20, $0x7  }
0xd8: {  	s25 =	sor.u32 $0x30, s25;
	s0 =	sadd.s32 @!p1 $0xFFFFFFFF, s0  }
0xd9: {  	v8 =	vmov s25;
	s2 =	sand.u32 @!p1 $0x80, s0  }
0xda: {  	v8 =	vshll.u32 v8, $0x7;
	s2 =	sshrl.u32 @!p1 s2, $0x7;
	[tilespmem:v6+s11+$0x0] =	vst.idx.msk $0xffff, v5  }
0xdb: {  	s22 =	sadd.s32 $0x4, s22;
	v8 =	vor.u32 v1, v8;
	s2 =	sadd.s32 @!p1 s2, s0;
	v6 =	vor.u32 s23, v3;
	v5 =	vld.idx.msk [tilespmem:v7+s3+$0x0], $0xffff  }
0xdc: {  	p0 =	sne.s32 s22, $0x800;
	v8 =	vor.u32 s29, v8;
	s2 =	sand.u32 @!p1 $0xFE, s2  }
.Ltmp2:
0xdd: {  	s25 =	sshll.u32 @!p1 s0, $0x9;
	s0 =	ssub.s32 @!p1 s0, s2;
	(pc) =	sbr.rel @p0 .LBB2_6-.Ltmp2, $4  }
0xde: {  	s0 =	sshll.u32 @!p1 s0, $0x18  }
0xdf: {  	s24 =	simm.s32 @!p1 $0x80;
	s20 =	sadd.s32 $0x1, s20;
	s0 =	sshra.s32 @!p1 s0, $0x18  }
0xe0: {  	s28 =	sand.u32 $0x7C0, s21;
	s25 =	sshra.s32 @!p1 s25, $0x2;
	s0 =	sshll.u32 @!p1 s0, $0x10;
	[tilespmem:v6+s11+$0x0] =	vst.idx.msk $0xffff, v5  }
0xe1: {  	s25 =	sadd.s32 @!p1 $0x16000, s25;
	s26 =	sshra.s32 @!p1 s0, $0x2;
	v6 =	vor.u32 s23, v4;
	s23 =	rddreg [dreg:$0x4];
	v5 =	vld.idx.msk [tilespmem:v8+s3+$0x0], $0xffff  }
0xe2: {  	_ =	sdelay $0x3  }
0xe3: {  	s0 =	sshrl.u32 s28, $0x2;
	s2 =	sadd.s32 @!p1 $0xE000, s26;
	[tilespmem:v6+s11+$0x0] =	vst.idx.msk $0xffff, v5  }
0xe4: {  	[hbm4b:s23+s24] =	stream.indirect.scatter @!p1 [tilespmem:s2], [sflag:$0x2], $0x80, s25, s24, $0xb8;
	[tilespmem:$0x16400] =	vst v63  }
0xe5: {  	v5 =	vld [tilespmem:s0+$0x16200]  }
0xe6: {  	s22 =	sadd.s32 $0xFFFFFFFF, s20  }
0xe7: {  	s25 =	sand.u32 $0xF, s22  }
0xe8: {  	v6 =	vmov s25  }
0xe9: {  	vm1 =	veq.s32 v6, v0  }
0xea: {  	v5 =	vnsel vm1, $0x0, v5  }
0xeb: {  	(xrf0) =	vadd.scan.msk.s32 $0xffff, v5;
	_ =	sdelay $0x5  }
0xec: {  	v5, _, _ =	vpop (xrf0)  }
0xed: {  	(v2sf) =	vpush v5, $0xF;
	_ =	sdelay $0xe  }
0xee: {  	s26 =	spop (v2sf)  }
0xef: {  	s28 =	sshra.s32 s26, $0x7  }
0xf0: {  	p0 =	seq.s32 s21, $0x0;
	p6 =	sne.s32 s28, s19  }
0xf1: {  	s2 =	simm.s32 $0x1;
	p1 =	por p0, p6  }
0xf2: {  	s2 =	simm.s32 @!p1 $0x0  }
0xf3: {  	s2 =	sadd.s32 s2, s18  }
0xf4: {  	s18 =	sadd.s32 @p1 $0x6, s2;
	s29 =	smulhi.u32 $0x92492493, s2;
	s30 =	sshra.s32 s2, $0x1F  }
0xf5: {  	s23 =	simm.s32 @p1 $0x1;
	p0 =	sge.s32 @p1 s18, s17;
	s31 =	smul.u32 $0x92492493, s30  }
0xf6: {  	_ =	swait.ge @p1 [sflag:s23], $0x2000;
	p0 =	por p0, !p1;
	s19 =	ssub.s32 s29, s2  }
0xf7: {  	s21 =	smulhi.u32 @!p0 $0x92492493, s18;
	s24 =	sshra.s32 @!p0 s18, $0x1F;
	s17 =	sadd.s32 s31, s19  }
0xf8: {  	[sflag:s23] =	ssyncset.done @p1 $0x0;
	s19 =	smul.u32 @!p0 $0x92492493, s24;
	s17 =	sadd.s32 s2, s17  }
0xf9: {  	s21 =	ssub.s32 @!p0 s21, s18;
	s25 =	sshrl.u32 s17, $0x1F;
	s17 =	sshrl.u32 s17, $0x2  }
0xfa: {  	[sflag:s23] =	ssyncadd.s32 @p1 $0xFFFFE000;
	s19 =	sadd.s32 @!p0 s19, s21;
	s17 =	sadd.s32 s25, s17  }
0xfb: {  	p1 =	slt.u32 s22, $0x100;
	s19 =	sadd.s32 @!p0 s18, s19;
	s17 =	smul.u32 $0x7, s17  }
0xfc: {  	s24 =	sand.u32 $0x7F, s22;
	s23 =	sshrl.u32 @!p0 s19, $0x1F;
	s19 =	sshrl.u32 @!p0 s19, $0x2  }
0xfd: {  	s21 =	sld @!p0 [smem:s18+$0x0];
	s19 =	sadd.s32 @!p0 s23, s19;
	s2 =	ssub.s32 s2, s17  }
0xfe: {  	p2 =	sne.s32 @!p1 s24, $0x0;
	s19 =	smul.u32 @!p0 $0x7, s19;
	s2 =	sshll.u32 s2, $0x6  }
0xff: {  	s0 =	sand.u32 $0x7F, s26;
	p1 =	por p2, p1;
	v5 =	vmov s2  }
0x100: {  	s17 =	sshll.u32 @!p0 s21, $0x7;
	s21 =	simm.s32 @!p0 $0x7A1400;
	s18 =	ssub.s32 @!p0 s18, s19;
	v5 =	vshll.u32 v5, $0x7  }
0x101: {  	s23 =	simm.s32 @!p1 $0x2;
	s17 =	sand.u32 @!p0 $0x1FFFFF80, s17;
	s18 =	sshll.u32 @!p0 s18, $0xF;
	v5 =	vor.u32 v1, v5  }
0x102: {  	s17 =	sadd.s32 @!p0 s1, s17;
	s19 =	simm.s32 @!p0 $0x400;
	s18 =	sshra.s32 @!p0 s18, $0x2;
	v5 =	vor.u32 s0, v5  }
0x103: {  	[tilespmem:s18], [sflag:$0x1] =	stream.strided.gather @!p0 [hbm4b:s17+s19], $0x2000, s21, s19, $0x38;
	[tilespmem:$0x16400] =	vst v63  }
0x104: {  	s26 =	sor.u32 $0x10, s2;
	_ =	swait.ge @!p1 [sflag:s23], $0x4000  }
0x105: {  	s28 =	sand.u32 $0xFF, s22;
	v6 =	vmov s26;
	[sflag:s23] =	ssyncset.done @!p1 $0x0  }
0x106: {  	s29 =	sshll.u32 s28, $0x7;
	v6 =	vshll.u32 v6, $0x7;
	[sflag:s23] =	ssyncadd.s32 @!p1 $0xFFFFC000  }
0x107: {  	v7 =	vor.u32 s29, v0;
	v6 =	vor.u32 v1, v6;
	v5 =	vld.idx.msk [tilespmem:v5+s3+$0x0], $0xffff  }
0x108: {  	v6 =	vor.u32 s0, v6;
	_ =	sdelay $0x1  }
0x109: {  	s30 =	sor.u32 $0x20, s2  }
0x10a: {  	v8 =	vmov s30  }
0x10b: {  	v8 =	vshll.u32 v8, $0x7;
	[tilespmem:v7+s11+$0x0] =	vst.idx.msk $0xffff, v5  }
0x10c: {  	v5 =	vor.u32 v1, v8;
	v7 =	vor.u32 s29, v2;
	v6 =	vld.idx.msk [tilespmem:v6+s3+$0x0], $0xffff  }
0x10d: {  	v5 =	vor.u32 s0, v5;
	_ =	sdelay $0x1  }
0x10e: {  	s2 =	sor.u32 $0x30, s2  }
0x10f: {  	s31 =	sand.u32 $0x7F, s20;
	v63 =	vmov s2  }
0x110: {  	p0 =	sne.s32 s31, $0x0;
	v8 =	vshll.u32 v63, $0x7;
	[tilespmem:v7+s11+$0x0] =	vst.idx.msk $0xffff, v6  }
0x111: {  	s2 =	sshrl.u32 @!p0 s20, $0x7;
	v6 =	vor.u32 v1, v8;
	v7 =	vor.u32 s29, v3;
	v5 =	vld.idx.msk [tilespmem:v5+s3+$0x0], $0xffff  }
0x112: {  	v6 =	vor.u32 s0, v6;
	s0 =	sadd.s32 @!p0 $0xFFFFFFFF, s2  }
0x113: {  	s2 =	sand.u32 @!p0 $0x80, s0  }
0x114: {  	s2 =	sshrl.u32 @!p0 s2, $0x7  }
0x115: {  	s2 =	sadd.s32 @!p0 s2, s0  }
0x116: {  	s2 =	sand.u32 @!p0 $0xFE, s2;
	[tilespmem:v7+s11+$0x0] =	vst.idx.msk $0xffff, v5  }
0x117: {  	s2 =	ssub.s32 @!p0 s0, s2;
	v5 =	vld.idx.msk [tilespmem:v6+s3+$0x0], $0xffff;
	v6 =	vor.u32 s29, v4  }
0x118: {  	s2 =	sshll.u32 @!p0 s2, $0x18  }
0x119: {  	s2 =	sshra.s32 @!p0 s2, $0x18  }
0x11a: {  	s16 =	sadd.s32 $0x1, s16;
	s0 =	sshll.u32 @!p0 s0, $0x9;
	s2 =	sshll.u32 @!p0 s2, $0x10  }
0x11b: {  	s18 =	simm.s32 @!p0 $0x80;
	s0 =	sshra.s32 @!p0 s0, $0x2;
	s2 =	sshra.s32 @!p0 s2, $0x2  }
0x11c: {  	s17 =	rddreg [dreg:$0x4];
	s0 =	sadd.s32 @!p0 $0x16000, s0;
	s2 =	sadd.s32 @!p0 $0xE000, s2;
	[tilespmem:v6+s11+$0x0] =	vst.idx.msk $0xffff, v5  }
0x11d: {  	[hbm4b:s17+s18] =	stream.indirect.scatter @!p0 [tilespmem:s2], [sflag:$0x2], $0x80, s0, s18, $0xb8;
	[tilespmem:$0x16400] =	vst v63  }
0x11e: {  	p0 =	sne.s32 s16, s6;
	_ =	swait.ge [sflag:s12], $0x4000  }
.Ltmp3:
0x11f: {  	[sflag:s12] =	ssyncset.done $0x0;
	(pc) =	sbr.rel @p0 .LBB2_1-.Ltmp3, $4  }
0x120: {  	[sflag:s12] =	ssyncadd.s32 $0xFFFFC000  }
0x121: {  	_ =	swait.ge [sflag:s12], $0x4000  }
0x122: {  	[sflag:s12] =	ssyncset.done $0x0  }
0x123: {  	[sflag:s12] =	ssyncadd.s32 $0xFFFFC000  }
0x124: {  	_ =	sfence.sel $0x180000  }
0x125: {  	[bflag:$0x0] =	sbarrier.arrive $0xFFFF  }
0x126: {  	_ =	strace $0x90000047  }
0x127: {  	s0 =	stileid.u32;
	[bflag:$0x2] =	sbarrier.arrive $0xFFFF  }
0x128: {  	p0 =	sne.s32 s0, $0x0;
	s0 =	rddreg [dreg:$0x3]  }
0x129: {  	s0 =	sadd.s32 @!p0 $0x100000, s0  }
0x12a: {  	[sflag:s0] =	ssyncadd.tile.s32 @!p0 $0x1;
	_ =	shalt  }
.Lfunc_end2:
_tile_overlayer_lowered:
.L_overlay_start_2:
0x12b: {  	(tag) =	ssettag $0x2  }
0x12c: {  	s0 =	rddreg [dreg:$0x0];
	s2 =	stileid.u32  }
0x12d: {  	s1 =	rddreg [dreg:$0x1];
	p0 =	sne.s32 s2, $0x0  }
0x12e: {  	s3 =	rddreg [dreg:$0x2];
	[bflag:$0x3] =	sbarrier.arrive $0xFFFF;
	s2 =	simm.s32 @!p0 $0x1C03  }
0x12f: {  	[timem:s3], [sflag:s2] =	dma.local @!p0 [hbm:s0], s1  }
0x130: {  	s0 =	simm.s32 @!p0 $0x3  }
0x131: {  	_ =	swait.ge @!p0 [sflag:s0], s1  }
0x132: {  	s1 =	ssub.s32 @!p0 $0x0, s1;
	[sflag:s0] =	ssyncset.done @!p0 $0x0  }
0x133: {  	[sflag:s0] =	ssyncadd.s32 @!p0 s1  }
0x134: {  	[bflag:$0x3] =	sbarrier.arrive $0xFFFF  }
0x135: {  	_ =	shalt  }

</sc_bundles>
